<compile_context>
chip_gen: v7x
topology: tpu7x:2x2x1
jax: 0.10.2.dev20260603
libtpu: 0.0.44.dev20260713+nightly
codegen_flags: <defaults>
</compile_context>

<pallas_src>
import functools

import jax
import jax.numpy as jnp
from jax import lax
from jax.experimental import pallas as pl
from jax.experimental.pallas import tpu as pltpu
from jax.experimental.pallas import tpu_sc as plsc

L = 16
T_LEN = 1001
T_PAD = 1008
NVREG = T_PAD // L
NC = 1
NS = 16
NW = NC * NS
NTAB = 6
NTOTV = (NVREG + L - 1) // L


def _rsqrt(x):
    i = plsc.bitcast(x, jnp.int32)
    y = plsc.bitcast(jnp.int32(0x5F3759DF) - (i >> 1), jnp.float32)
    for _ in range(2):
        y = y * (1.5 - 0.5 * x * y * y)
    return y


def _sqrt(x):
    return jnp.where(x > 0.0, x * _rsqrt(x), 0.0)


def _sc_body(t_hbm, bet_hbm, out_hbm, bet_v, lg_v, ps_v, tot_v, ab_v, tab_v,
             t_v, out_v, sem_b, sem_t, sem_o):
    batch = t_hbm.shape[0]
    bpw = batch // NW
    gv = bpw // L
    wid = lax.axis_index("s") * NC + lax.axis_index("c")
    base = wid * bpw

    bet_v[pl.ds(T_PAD - L, L)] = jnp.zeros((L,), jnp.float32)
    cp_b = pltpu.async_copy(bet_hbm, bet_v.at[pl.ds(0, T_LEN)], sem_b)
    cp_t = pltpu.async_copy(t_hbm.at[pl.ds(base, bpw)], t_v, sem_t)
    cp_b.wait()

    iota = lax.iota(jnp.int32, L)

    @plsc.parallel_loop(0, NVREG, unroll=1)
    def p1_body(i):
        s = pl.ds(i * L, L)
        b = bet_v[s]
        p = 0.25 + b * 0.2
        p = 1.0 / 3.0 + b * p
        p = 0.5 + b * p
        l = -b * (1.0 + b * p)
        lg_v[s] = l
        ps_v[s] = plsc.cumsum(l)

    @plsc.parallel_loop(0, NTOTV, carry=jnp.zeros((L,), jnp.float32))
    def tot_body(g, carry):
        vid = jnp.minimum(g * L + iota, NVREG - 1)
        tg = plsc.load_gather(ps_v, [vid * L + 15])
        sg = plsc.cumsum(tg) + carry
        tot_v[pl.ds(g * L, L)] = sg
        return plsc.load_gather(
            tot_v, [jnp.zeros((L,), jnp.int32) + (g * L + 15)]
        )

    @plsc.parallel_loop(0, NVREG, unroll=2)
    def p2_body(i):
        s = i * L
        sl = pl.ds(s, L)
        b = bet_v[sl]
        l = lg_v[sl]
        e_idx = jnp.zeros((L,), jnp.int32) + jnp.maximum(i - 1, 0)
        e = plsc.load_gather(tot_v, [e_idx])
        e = jnp.where(i >= 1, e, 0.0)
        big_s = ps_v[sl] + e
        ab = jnp.exp(big_s)
        ab_v[sl] = ab
        tab_v[pl.ds(0 * T_PAD + s, L)] = _sqrt(b)
        tab_v[pl.ds(1 * T_PAD + s, L)] = jnp.exp(0.5 * big_s)
        tab_v[pl.ds(2 * T_PAD + s, L)] = _sqrt(1.0 - ab)
        tab_v[pl.ds(3 * T_PAD + s, L)] = jnp.exp(-0.5 * l)

    cp_t.wait()

    @plsc.parallel_loop(0, gv, unroll=2)
    def gat_body(i):
        s = i * L
        idx = t_v[pl.ds(s, L)]
        out_v[pl.ds(0 * bpw + s, L)] = plsc.load_gather(bet_v, [idx])
        out_v[pl.ds(1 * bpw + s, L)] = plsc.load_gather(tab_v, [idx + 0 * T_PAD])
        out_v[pl.ds(2 * bpw + s, L)] = plsc.load_gather(ab_v, [idx])
        out_v[pl.ds(3 * bpw + s, L)] = plsc.load_gather(tab_v, [idx + 1 * T_PAD])
        out_v[pl.ds(4 * bpw + s, L)] = plsc.load_gather(tab_v, [idx + 2 * T_PAD])
        out_v[pl.ds(5 * bpw + s, L)] = plsc.load_gather(tab_v, [idx + 3 * T_PAD])

    def issue_body(j, _):
        pltpu.make_async_copy(
            out_v.at[pl.ds(j * bpw, bpw)],
            out_hbm.at[pl.ds(j * batch + base, bpw)],
            sem_o,
        ).start()
        return 0

    lax.fori_loop(0, NTAB, issue_body, 0)

    pltpu.make_async_copy(
        out_v, out_hbm.at[pl.ds(base, NTAB * bpw)], sem_o
    ).wait()


def _make_sc_call(batch):
    bpw = batch // NW
    mesh = plsc.VectorSubcoreMesh(
        core_axis_name="c", subcore_axis_name="s", num_cores=NC, num_subcores=NS
    )
    return pl.kernel(
        _sc_body,
        mesh=mesh,
        compiler_params=pltpu.CompilerParams(needs_layout_passes=False),
        out_type=jax.ShapeDtypeStruct((NTAB * batch,), jnp.float32),
        scratch_types=[
            pltpu.VMEM((T_PAD,), jnp.float32),
            pltpu.VMEM((T_PAD,), jnp.float32),
            pltpu.VMEM((T_PAD,), jnp.float32),
            pltpu.VMEM((NTOTV * L,), jnp.float32),
            pltpu.VMEM((T_PAD,), jnp.float32),
            pltpu.VMEM((4 * T_PAD,), jnp.float32),
            pltpu.VMEM((bpw,), jnp.int32),
            pltpu.VMEM((NTAB * bpw,), jnp.float32),
            pltpu.SemaphoreType.DMA,
            pltpu.SemaphoreType.DMA,
            pltpu.SemaphoreType.DMA,
        ],
    )


@jax.jit
def kernel(t, betas):
    out1d = _make_sc_call(t.shape[0])(t, betas)
    return out1d.reshape(NTAB, -1, 1, 1, 1)

# --- scband reference (transcript-rebuilt; emitter-appended) ---
"""Pipeline reference for scband-linear-beta-scheduler-40604620816609 (READ-ONLY COPY).

The authoritative reference and input builder live on the scoring server;
editing this copy changes nothing except your own understanding.
"""

import jax, jax.numpy as jnp
import numpy as np

BETA_START = 0.0001
BETA_END = 0.02
TIMESTEPS = 1000
BATCH = 16384


def setup_inputs(seed: int = 0) -> dict:
    key = jax.random.key(seed)
    # buffer: betas = cat([zeros(1), linspace(beta_start, beta_end, timesteps)])
    betas = jnp.concatenate([
        jnp.zeros((1,), dtype=jnp.float32),
        jnp.linspace(BETA_START, BETA_END, TIMESTEPS, dtype=jnp.float32),
    ])
    t = jax.random.randint(key, (BATCH,), 0, TIMESTEPS + 1, dtype=jnp.int32)
    return {"t": t, "betas": betas}


def reference(t, betas):
    # Recompute all registered buffers from betas (faithful to __init__)
    alphas = 1.0 - betas
    alphas_bar = jnp.cumprod(alphas, axis=0)
    sqrt_alphas_bar = jnp.sqrt(alphas_bar)
    sqrt_one_minus_alphas_bar = jnp.sqrt(1.0 - alphas_bar)
    sqrt_recip_alphas = jnp.sqrt(1.0 / alphas)
    sigmas = jnp.sqrt(betas)

    def gather(table):
        # table[t].view(-1, 1, 1, 1)
        return jnp.take(table, t, axis=0).reshape(-1, 1, 1, 1)

    # Exercise all getter lookups: get_beta, get_sigma, get_alpha_bar,
    # get_sqrt_alpha_bar, get_sqrt_one_minus_alpha_bar, get_sqrt_recip_alpha
    out = jnp.stack([
        gather(betas),
        gather(sigmas),
        gather(alphas_bar),
        gather(sqrt_alphas_bar),
        gather(sqrt_one_minus_alphas_bar),
        gather(sqrt_recip_alphas),
    ], axis=0)  # [6, B, 1, 1, 1]
    return out

if __name__ == "__main__":
    import jax
    _d = setup_inputs()
    print(jax.jit(kernel)(*tuple(_d.values())))

</pallas_src>

<mosaic_0001>
#map = affine_map<(d0, d1) -> (0)>
module attributes {stable_mosaic.version = 14 : i64} {
  func.func @_sc_body(%arg0: i32, %arg1: i32, %arg2: memref<16384xi32, #tpu.memory_space<hbm>>, %arg3: memref<1001xf32, #tpu.memory_space<hbm>>, %arg4: memref<98304xf32, #tpu.memory_space<hbm>>, %arg5: memref<1008xf32, #tpu.memory_space<vmem>>, %arg6: memref<1008xf32, #tpu.memory_space<vmem>>, %arg7: memref<1008xf32, #tpu.memory_space<vmem>>, %arg8: memref<64xf32, #tpu.memory_space<vmem>>, %arg9: memref<1008xf32, #tpu.memory_space<vmem>>, %arg10: memref<4032xf32, #tpu.memory_space<vmem>>, %arg11: memref<1024xi32, #tpu.memory_space<vmem>>, %arg12: memref<6144xf32, #tpu.memory_space<vmem>>, %arg13: memref<!tpu.dma_semaphore, #tpu.memory_space<semaphore_mem>>, %arg14: memref<!tpu.dma_semaphore, #tpu.memory_space<semaphore_mem>>, %arg15: memref<!tpu.dma_semaphore, #tpu.memory_space<semaphore_mem>>) attributes {dimension_semantics = [#tpu.dimension_semantics<core_parallel>, #tpu.dimension_semantics<subcore_parallel>], iteration_bounds = array<i64: 1, 16>, scalar_prefetch = 0 : i64, scratch_operands = 11 : i64, tpu.core_type = #tpu.core_type<sc_vector_subcore>, window_params = [{transform_indices = #map}, {transform_indices = #map}, {transform_indices = #map}]} {
    %mul3A = arith.constant 1 : i32
    %mul3A_0 = arith.muli %arg1, %mul3A : i32
    %add3A = arith.addi %mul3A_0, %arg0 : i32
    %mul3A_1 = arith.constant 1024 : i32
    %mul3A_2 = arith.muli %add3A, %mul3A_1 : i32
    %broadcast_in_dim3A = arith.constant 0.000000e+00 : f32
    %broadcast_in_dim3A_3 = vector.broadcast %broadcast_in_dim3A : f32 to vector<16xf32>
    %swap3A = arith.constant 992 : index
    %swap3A_4 = tpu.vector_load %arg5[%swap3A] {strides = array<i32>} : memref<1008xf32, #tpu.memory_space<vmem>>, vector<16xf32>,
    tpu.vector_store %arg5[%swap3A], %broadcast_in_dim3A_3 {strides = array<i32>} : memref<1008xf32, #tpu.memory_space<vmem>>, vector<16xf32>,
    %dma_start3A = arith.constant 0 : i32
    %dma_start3A_5 = tpu.memref_slice %arg5[%dma_start3A] : memref<1008xf32, #tpu.memory_space<vmem>> -> memref<1001xf32, #tpu.memory_space<vmem>>
    %dma_start3A_6 = arith.constant 0 : i32
    %dma_start3A_7 = tpu.memref_slice %arg5[%dma_start3A_6] : memref<1008xf32, #tpu.memory_space<vmem>> -> memref<1001xf32, #tpu.memory_space<vmem>>
    tpu.enqueue_dma source(%arg3 : memref<1001xf32, #tpu.memory_space<hbm>>) target(%dma_start3A_7 : memref<1001xf32, #tpu.memory_space<vmem>>) target_semaphore(%arg13 : memref<!tpu.dma_semaphore, #tpu.memory_space<semaphore_mem>>)
    %dma_start3A_8 = tpu.memref_slice %arg2[%mul3A_2] : memref<16384xi32, #tpu.memory_space<hbm>> -> memref<1024xi32, #tpu.memory_space<hbm>>
    %dma_start3A_9 = tpu.memref_slice %arg2[%mul3A_2] : memref<16384xi32, #tpu.memory_space<hbm>> -> memref<1024xi32, #tpu.memory_space<hbm>>
    tpu.enqueue_dma source(%dma_start3A_9 : memref<1024xi32, #tpu.memory_space<hbm>>) target(%arg11 : memref<1024xi32, #tpu.memory_space<vmem>>) target_semaphore(%arg14 : memref<!tpu.dma_semaphore, #tpu.memory_space<semaphore_mem>>)
    %dma_wait3A = arith.constant 0 : i32
    %dma_wait3A_10 = tpu.memref_slice %arg5[%dma_wait3A] : memref<1008xf32, #tpu.memory_space<vmem>> -> memref<1001xf32, #tpu.memory_space<vmem>>
    %dma_wait3A_11 = arith.constant 0 : i32
    %dma_wait3A_12 = tpu.memref_slice %arg5[%dma_wait3A_11] : memref<1008xf32, #tpu.memory_space<vmem>> -> memref<1001xf32, #tpu.memory_space<vmem>>
    tpu.wait_dma2 semaphore(%arg13 : memref<!tpu.dma_semaphore, #tpu.memory_space<semaphore_mem>>) src(%arg3 : memref<1001xf32, #tpu.memory_space<hbm>>) dst(%dma_wait3A_12 : memref<1001xf32, #tpu.memory_space<vmem>>)
    %iota3A = tpu.iota {dimensions = array<i32: 0>} : vector<16xi32>
    %parallel_loop3A = arith.constant 0 : i32
    %parallel_loop3A_13 = arith.constant 63 : i32
    %parallel_loop3A_14 = arith.constant 1 : i32
    scf.for %parallel_loop3A_37 = %parallel_loop3A to %parallel_loop3A_13 step %parallel_loop3A_14  : i32 {
      %parallel_loop3A_38 = arith.constant 16 : i32
      %parallel_loop3A_39 = arith.muli %parallel_loop3A_37, %parallel_loop3A_38 : i32
      %parallel_loop3A_40 = arith.index_cast %parallel_loop3A_39 : i32 to index
      %parallel_loop3A_41 = tpu.vector_load %arg5[%parallel_loop3A_40] {strides = array<i32>} : memref<1008xf32, #tpu.memory_space<vmem>>, vector<16xf32>,
      %parallel_loop3A_42 = arith.constant 2.000000e-01 : f32
      %parallel_loop3A_43 = vector.broadcast %parallel_loop3A_42 : f32 to vector<16xf32>
      %parallel_loop3A_44 = arith.mulf %parallel_loop3A_41, %parallel_loop3A_43 : vector<16xf32>
      %parallel_loop3A_45 = arith.constant 2.500000e-01 : f32
      %parallel_loop3A_46 = vector.broadcast %parallel_loop3A_45 : f32 to vector<16xf32>
      %parallel_loop3A_47 = arith.addf %parallel_loop3A_46, %parallel_loop3A_44 : vector<16xf32>
      %parallel_loop3A_48 = arith.mulf %parallel_loop3A_41, %parallel_loop3A_47 : vector<16xf32>
      %parallel_loop3A_49 = arith.constant 0.333333343 : f32
      %parallel_loop3A_50 = vector.broadcast %parallel_loop3A_49 : f32 to vector<16xf32>
      %parallel_loop3A_51 = arith.addf %parallel_loop3A_50, %parallel_loop3A_48 : vector<16xf32>
      %parallel_loop3A_52 = arith.mulf %parallel_loop3A_41, %parallel_loop3A_51 : vector<16xf32>
      %parallel_loop3A_53 = arith.constant 5.000000e-01 : f32
      %parallel_loop3A_54 = vector.broadcast %parallel_loop3A_53 : f32 to vector<16xf32>
      %parallel_loop3A_55 = arith.addf %parallel_loop3A_54, %parallel_loop3A_52 : vector<16xf32>
      %parallel_loop3A_56 = arith.constant 0.000000e+00 : f32
      %parallel_loop3A_57 = vector.broadcast %parallel_loop3A_56 : f32 to vector<16xf32>
      %parallel_loop3A_58 = arith.subf %parallel_loop3A_57, %parallel_loop3A_41 : vector<16xf32>
      %parallel_loop3A_59 = arith.mulf %parallel_loop3A_41, %parallel_loop3A_55 : vector<16xf32>
      %parallel_loop3A_60 = arith.constant 1.000000e+00 : f32
      %parallel_loop3A_61 = vector.broadcast %parallel_loop3A_60 : f32 to vector<16xf32>
      %parallel_loop3A_62 = arith.addf %parallel_loop3A_61, %parallel_loop3A_59 : vector<16xf32>
      %parallel_loop3A_63 = arith.mulf %parallel_loop3A_58, %parallel_loop3A_62 : vector<16xf32>
      %parallel_loop3A_64 = arith.index_cast %parallel_loop3A_39 : i32 to index
      %parallel_loop3A_65 = tpu.vector_load %arg6[%parallel_loop3A_64] {strides = array<i32>} : memref<1008xf32, #tpu.memory_space<vmem>>, vector<16xf32>,
      tpu.vector_store %arg6[%parallel_loop3A_64], %parallel_loop3A_63 {strides = array<i32>} : memref<1008xf32, #tpu.memory_space<vmem>>, vector<16xf32>,
      %parallel_loop3A_66 = arith.constant true
      %parallel_loop3A_67 = vector.broadcast %parallel_loop3A_66 : i1 to vector<16xi1>
      %parallel_loop3A_68 = tpu.scan <sum>, %parallel_loop3A_63 masked %parallel_loop3A_67 : vector<16xf32>, vector<16xi1> -> vector<16xf32>
      %parallel_loop3A_69 = arith.index_cast %parallel_loop3A_39 : i32 to index
      %parallel_loop3A_70 = tpu.vector_load %arg7[%parallel_loop3A_69] {strides = array<i32>} : memref<1008xf32, #tpu.memory_space<vmem>>, vector<16xf32>,
      tpu.vector_store %arg7[%parallel_loop3A_69], %parallel_loop3A_68 {strides = array<i32>} : memref<1008xf32, #tpu.memory_space<vmem>>, vector<16xf32>,
    } {sc.loop_unroll_factor = 1 : i64, sc.parallel_access}
    %broadcast_in_dim3A_15 = arith.constant 0.000000e+00 : f32
    %broadcast_in_dim3A_16 = vector.broadcast %broadcast_in_dim3A_15 : f32 to vector<16xf32>
    %parallel_loop3A_17 = arith.constant 0 : i32
    %parallel_loop3A_18 = arith.constant 4 : i32
    %parallel_loop3A_19 = arith.constant 1 : i32
    %parallel_loop3A_20 = scf.for %parallel_loop3A_37 = %parallel_loop3A_17 to %parallel_loop3A_18 step %parallel_loop3A_19 iter_args(%parallel_loop3A_38 = %broadcast_in_dim3A_16) -> (vector<16xf32>)  : i32 {
      %parallel_loop3A_39 = arith.constant 16 : i32
      %parallel_loop3A_40 = arith.muli %parallel_loop3A_37, %parallel_loop3A_39 : i32
      %parallel_loop3A_41 = vector.broadcast %parallel_loop3A_40 : i32 to vector<16xi32>
      %parallel_loop3A_42 = arith.addi %parallel_loop3A_41, %iota3A : vector<16xi32>
      %parallel_loop3A_43 = arith.constant 62 : i32
      %parallel_loop3A_44 = vector.broadcast %parallel_loop3A_43 : i32 to vector<16xi32>
      %parallel_loop3A_45 = arith.minsi %parallel_loop3A_42, %parallel_loop3A_44 : vector<16xi32>
      %parallel_loop3A_46 = arith.constant 16 : i32
      %parallel_loop3A_47 = vector.broadcast %parallel_loop3A_46 : i32 to vector<16xi32>
      %parallel_loop3A_48 = arith.muli %parallel_loop3A_45, %parallel_loop3A_47 : vector<16xi32>
      %parallel_loop3A_49 = arith.constant 15 : i32
      %parallel_loop3A_50 = vector.broadcast %parallel_loop3A_49 : i32 to vector<16xi32>
      %parallel_loop3A_51 = arith.addi %parallel_loop3A_48, %parallel_loop3A_50 : vector<16xi32>
      %parallel_loop3A_52 = tpu.vector_load_idx %arg7[%parallel_loop3A_51] : memref<1008xf32, #tpu.memory_space<vmem>>[vector<16xi32>], vector<16xf32>,
      %parallel_loop3A_53 = arith.constant true
      %parallel_loop3A_54 = vector.broadcast %parallel_loop3A_53 : i1 to vector<16xi1>
      %parallel_loop3A_55 = tpu.scan <sum>, %parallel_loop3A_52 masked %parallel_loop3A_54 : vector<16xf32>, vector<16xi1> -> vector<16xf32>
      %parallel_loop3A_56 = arith.addf %parallel_loop3A_55, %parallel_loop3A_38 : vector<16xf32>
      %parallel_loop3A_57 = arith.constant 16 : i32
      %parallel_loop3A_58 = arith.muli %parallel_loop3A_37, %parallel_loop3A_57 : i32
      %parallel_loop3A_59 = arith.index_cast %parallel_loop3A_58 : i32 to index
      %parallel_loop3A_60 = tpu.vector_load %arg8[%parallel_loop3A_59] {strides = array<i32>} : memref<64xf32, #tpu.memory_space<vmem>>, vector<16xf32>,
      tpu.vector_store %arg8[%parallel_loop3A_59], %parallel_loop3A_56 {strides = array<i32>} : memref<64xf32, #tpu.memory_space<vmem>>, vector<16xf32>,
      %parallel_loop3A_61 = arith.constant 0 : i32
      %parallel_loop3A_62 = vector.broadcast %parallel_loop3A_61 : i32 to vector<16xi32>
      %parallel_loop3A_63 = arith.constant 16 : i32
      %parallel_loop3A_64 = arith.muli %parallel_loop3A_37, %parallel_loop3A_63 : i32
      %parallel_loop3A_65 = arith.constant 15 : i32
      %parallel_loop3A_66 = arith.addi %parallel_loop3A_64, %parallel_loop3A_65 : i32
      %parallel_loop3A_67 = vector.broadcast %parallel_loop3A_66 : i32 to vector<16xi32>
      %parallel_loop3A_68 = arith.addi %parallel_loop3A_62, %parallel_loop3A_67 : vector<16xi32>
      %parallel_loop3A_69 = tpu.vector_load_idx %arg8[%parallel_loop3A_68] : memref<64xf32, #tpu.memory_space<vmem>>[vector<16xi32>], vector<16xf32>,
      scf.yield %parallel_loop3A_69 : vector<16xf32>
    } {sc.loop_unroll_factor = 1 : i64, sc.parallel_access}
    %parallel_loop3A_21 = arith.constant 0 : i32
    %parallel_loop3A_22 = arith.constant 63 : i32
    %parallel_loop3A_23 = arith.constant 1 : i32
    scf.for %parallel_loop3A_37 = %parallel_loop3A_21 to %parallel_loop3A_22 step %parallel_loop3A_23  : i32 {
      %parallel_loop3A_38 = arith.constant 16 : i32
      %parallel_loop3A_39 = arith.muli %parallel_loop3A_37, %parallel_loop3A_38 : i32
      %parallel_loop3A_40 = arith.index_cast %parallel_loop3A_39 : i32 to index
      %parallel_loop3A_41 = tpu.vector_load %arg5[%parallel_loop3A_40] {strides = array<i32>} : memref<1008xf32, #tpu.memory_space<vmem>>, vector<16xf32>,
      %parallel_loop3A_42 = arith.index_cast %parallel_loop3A_39 : i32 to index
      %parallel_loop3A_43 = tpu.vector_load %arg6[%parallel_loop3A_42] {strides = array<i32>} : memref<1008xf32, #tpu.memory_space<vmem>>, vector<16xf32>,
      %parallel_loop3A_44 = arith.constant 0 : i32
      %parallel_loop3A_45 = vector.broadcast %parallel_loop3A_44 : i32 to vector<16xi32>
      %parallel_loop3A_46 = arith.constant 1 : i32
      %parallel_loop3A_47 = arith.subi %parallel_loop3A_37, %parallel_loop3A_46 : i32
      %parallel_loop3A_48 = arith.constant 0 : i32
      %parallel_loop3A_49 = arith.maxsi %parallel_loop3A_47, %parallel_loop3A_48 : i32
      %parallel_loop3A_50 = vector.broadcast %parallel_loop3A_49 : i32 to vector<16xi32>
      %parallel_loop3A_51 = arith.addi %parallel_loop3A_45, %parallel_loop3A_50 : vector<16xi32>
      %parallel_loop3A_52 = tpu.vector_load_idx %arg8[%parallel_loop3A_51] : memref<64xf32, #tpu.memory_space<vmem>>[vector<16xi32>], vector<16xf32>,
      %parallel_loop3A_53 = arith.constant 1 : i32
      %parallel_loop3A_54 = arith.cmpi sge, %parallel_loop3A_37, %parallel_loop3A_53 : i32
      %parallel_loop3A_55 = arith.constant 0.000000e+00 : f32
      %parallel_loop3A_56 = vector.broadcast %parallel_loop3A_55 : f32 to vector<16xf32>
      %parallel_loop3A_57 = arith.select %parallel_loop3A_54, %parallel_loop3A_52, %parallel_loop3A_56 : vector<16xf32>
      %parallel_loop3A_58 = arith.index_cast %parallel_loop3A_39 : i32 to index
      %parallel_loop3A_59 = tpu.vector_load %arg7[%parallel_loop3A_58] {strides = array<i32>} : memref<1008xf32, #tpu.memory_space<vmem>>, vector<16xf32>,
      %parallel_loop3A_60 = arith.addf %parallel_loop3A_59, %parallel_loop3A_57 : vector<16xf32>
      %parallel_loop3A_61 = math.exp %parallel_loop3A_60 : vector<16xf32>
      %parallel_loop3A_62 = arith.index_cast %parallel_loop3A_39 : i32 to index
      %parallel_loop3A_63 = tpu.vector_load %arg9[%parallel_loop3A_62] {strides = array<i32>} : memref<1008xf32, #tpu.memory_space<vmem>>, vector<16xf32>,
      tpu.vector_store %arg9[%parallel_loop3A_62], %parallel_loop3A_61 {strides = array<i32>} : memref<1008xf32, #tpu.memory_space<vmem>>, vector<16xf32>,
      %parallel_loop3A_64 = arith.constant 0.000000e+00 : f32
      %parallel_loop3A_65 = vector.broadcast %parallel_loop3A_64 : f32 to vector<16xf32>
      %parallel_loop3A_66 = arith.cmpf ogt, %parallel_loop3A_41, %parallel_loop3A_65 : vector<16xf32>
      %parallel_loop3A_67 = vector.bitcast %parallel_loop3A_41 : vector<16xf32> to vector<16xi32>
      %parallel_loop3A_68 = arith.constant 1 : i32
      %parallel_loop3A_69 = vector.broadcast %parallel_loop3A_68 : i32 to vector<16xi32>
      %parallel_loop3A_70 = arith.shrsi %parallel_loop3A_67, %parallel_loop3A_69 : vector<16xi32>
      %parallel_loop3A_71 = arith.constant 1597463007 : i32
      %parallel_loop3A_72 = vector.broadcast %parallel_loop3A_71 : i32 to vector<16xi32>
      %parallel_loop3A_73 = arith.subi %parallel_loop3A_72, %parallel_loop3A_70 : vector<16xi32>
      %parallel_loop3A_74 = vector.bitcast %parallel_loop3A_73 : vector<16xi32> to vector<16xf32>
      %parallel_loop3A_75 = arith.constant 5.000000e-01 : f32
      %parallel_loop3A_76 = vector.broadcast %parallel_loop3A_75 : f32 to vector<16xf32>
      %parallel_loop3A_77 = arith.mulf %parallel_loop3A_76, %parallel_loop3A_41 : vector<16xf32>
      %parallel_loop3A_78 = arith.mulf %parallel_loop3A_77, %parallel_loop3A_74 : vector<16xf32>
      %parallel_loop3A_79 = arith.mulf %parallel_loop3A_78, %parallel_loop3A_74 : vector<16xf32>
      %parallel_loop3A_80 = arith.constant 1.500000e+00 : f32
      %parallel_loop3A_81 = vector.broadcast %parallel_loop3A_80 : f32 to vector<16xf32>
      %parallel_loop3A_82 = arith.subf %parallel_loop3A_81, %parallel_loop3A_79 : vector<16xf32>
      %parallel_loop3A_83 = arith.mulf %parallel_loop3A_74, %parallel_loop3A_82 : vector<16xf32>
      %parallel_loop3A_84 = arith.constant 5.000000e-01 : f32
      %parallel_loop3A_85 = vector.broadcast %parallel_loop3A_84 : f32 to vector<16xf32>
      %parallel_loop3A_86 = arith.mulf %parallel_loop3A_85, %parallel_loop3A_41 : vector<16xf32>
      %parallel_loop3A_87 = arith.mulf %parallel_loop3A_86, %parallel_loop3A_83 : vector<16xf32>
      %parallel_loop3A_88 = arith.mulf %parallel_loop3A_87, %parallel_loop3A_83 : vector<16xf32>
      %parallel_loop3A_89 = arith.constant 1.500000e+00 : f32
      %parallel_loop3A_90 = vector.broadcast %parallel_loop3A_89 : f32 to vector<16xf32>
      %parallel_loop3A_91 = arith.subf %parallel_loop3A_90, %parallel_loop3A_88 : vector<16xf32>
      %parallel_loop3A_92 = arith.mulf %parallel_loop3A_83, %parallel_loop3A_91 : vector<16xf32>
      %parallel_loop3A_93 = arith.mulf %parallel_loop3A_41, %parallel_loop3A_92 : vector<16xf32>
      %parallel_loop3A_94 = arith.constant 0.000000e+00 : f32
      %parallel_loop3A_95 = vector.broadcast %parallel_loop3A_94 : f32 to vector<16xf32>
      %parallel_loop3A_96 = arith.select %parallel_loop3A_66, %parallel_loop3A_93, %parallel_loop3A_95 : vector<16xi1>, vector<16xf32>
      %parallel_loop3A_97 = arith.constant 0 : i32
      %parallel_loop3A_98 = arith.addi %parallel_loop3A_97, %parallel_loop3A_39 : i32
      %parallel_loop3A_99 = arith.index_cast %parallel_loop3A_98 : i32 to index
      %parallel_loop3A_100 = tpu.vector_load %arg10[%parallel_loop3A_99] {strides = array<i32>} : memref<4032xf32, #tpu.memory_space<vmem>>, vector<16xf32>,
      tpu.vector_store %arg10[%parallel_loop3A_99], %parallel_loop3A_96 {strides = array<i32>} : memref<4032xf32, #tpu.memory_space<vmem>>, vector<16xf32>,
      %parallel_loop3A_101 = arith.constant 5.000000e-01 : f32
      %parallel_loop3A_102 = vector.broadcast %parallel_loop3A_101 : f32 to vector<16xf32>
      %parallel_loop3A_103 = arith.mulf %parallel_loop3A_102, %parallel_loop3A_60 : vector<16xf32>
      %parallel_loop3A_104 = math.exp %parallel_loop3A_103 : vector<16xf32>
      %parallel_loop3A_105 = arith.constant 1008 : i32
      %parallel_loop3A_106 = arith.addi %parallel_loop3A_105, %parallel_loop3A_39 : i32
      %parallel_loop3A_107 = arith.index_cast %parallel_loop3A_106 : i32 to index
      %parallel_loop3A_108 = tpu.vector_load %arg10[%parallel_loop3A_107] {strides = array<i32>} : memref<4032xf32, #tpu.memory_space<vmem>>, vector<16xf32>,
      tpu.vector_store %arg10[%parallel_loop3A_107], %parallel_loop3A_104 {strides = array<i32>} : memref<4032xf32, #tpu.memory_space<vmem>>, vector<16xf32>,
      %parallel_loop3A_109 = arith.constant 1.000000e+00 : f32
      %parallel_loop3A_110 = vector.broadcast %parallel_loop3A_109 : f32 to vector<16xf32>
      %parallel_loop3A_111 = arith.subf %parallel_loop3A_110, %parallel_loop3A_61 : vector<16xf32>
      %parallel_loop3A_112 = arith.constant 0.000000e+00 : f32
      %parallel_loop3A_113 = vector.broadcast %parallel_loop3A_112 : f32 to vector<16xf32>
      %parallel_loop3A_114 = arith.cmpf ogt, %parallel_loop3A_111, %parallel_loop3A_113 : vector<16xf32>
      %parallel_loop3A_115 = vector.bitcast %parallel_loop3A_111 : vector<16xf32> to vector<16xi32>
      %parallel_loop3A_116 = arith.constant 1 : i32
      %parallel_loop3A_117 = vector.broadcast %parallel_loop3A_116 : i32 to vector<16xi32>
      %parallel_loop3A_118 = arith.shrsi %parallel_loop3A_115, %parallel_loop3A_117 : vector<16xi32>
      %parallel_loop3A_119 = arith.constant 1597463007 : i32
      %parallel_loop3A_120 = vector.broadcast %parallel_loop3A_119 : i32 to vector<16xi32>
      %parallel_loop3A_121 = arith.subi %parallel_loop3A_120, %parallel_loop3A_118 : vector<16xi32>
      %parallel_loop3A_122 = vector.bitcast %parallel_loop3A_121 : vector<16xi32> to vector<16xf32>
      %parallel_loop3A_123 = arith.constant 5.000000e-01 : f32
      %parallel_loop3A_124 = vector.broadcast %parallel_loop3A_123 : f32 to vector<16xf32>
      %parallel_loop3A_125 = arith.mulf %parallel_loop3A_124, %parallel_loop3A_111 : vector<16xf32>
      %parallel_loop3A_126 = arith.mulf %parallel_loop3A_125, %parallel_loop3A_122 : vector<16xf32>
      %parallel_loop3A_127 = arith.mulf %parallel_loop3A_126, %parallel_loop3A_122 : vector<16xf32>
      %parallel_loop3A_128 = arith.constant 1.500000e+00 : f32
      %parallel_loop3A_129 = vector.broadcast %parallel_loop3A_128 : f32 to vector<16xf32>
      %parallel_loop3A_130 = arith.subf %parallel_loop3A_129, %parallel_loop3A_127 : vector<16xf32>
      %parallel_loop3A_131 = arith.mulf %parallel_loop3A_122, %parallel_loop3A_130 : vector<16xf32>
      %parallel_loop3A_132 = arith.constant 5.000000e-01 : f32
      %parallel_loop3A_133 = vector.broadcast %parallel_loop3A_132 : f32 to vector<16xf32>
      %parallel_loop3A_134 = arith.mulf %parallel_loop3A_133, %parallel_loop3A_111 : vector<16xf32>
      %parallel_loop3A_135 = arith.mulf %parallel_loop3A_134, %parallel_loop3A_131 : vector<16xf32>
      %parallel_loop3A_136 = arith.mulf %parallel_loop3A_135, %parallel_loop3A_131 : vector<16xf32>
      %parallel_loop3A_137 = arith.constant 1.500000e+00 : f32
      %parallel_loop3A_138 = vector.broadcast %parallel_loop3A_137 : f32 to vector<16xf32>
      %parallel_loop3A_139 = arith.subf %parallel_loop3A_138, %parallel_loop3A_136 : vector<16xf32>
      %parallel_loop3A_140 = arith.mulf %parallel_loop3A_131, %parallel_loop3A_139 : vector<16xf32>
      %parallel_loop3A_141 = arith.mulf %parallel_loop3A_111, %parallel_loop3A_140 : vector<16xf32>
      %parallel_loop3A_142 = arith.constant 0.000000e+00 : f32
      %parallel_loop3A_143 = vector.broadcast %parallel_loop3A_142 : f32 to vector<16xf32>
      %parallel_loop3A_144 = arith.select %parallel_loop3A_114, %parallel_loop3A_141, %parallel_loop3A_143 : vector<16xi1>, vector<16xf32>
      %parallel_loop3A_145 = arith.constant 2016 : i32
      %parallel_loop3A_146 = arith.addi %parallel_loop3A_145, %parallel_loop3A_39 : i32
      %parallel_loop3A_147 = arith.index_cast %parallel_loop3A_146 : i32 to index
      %parallel_loop3A_148 = tpu.vector_load %arg10[%parallel_loop3A_147] {strides = array<i32>} : memref<4032xf32, #tpu.memory_space<vmem>>, vector<16xf32>,
      tpu.vector_store %arg10[%parallel_loop3A_147], %parallel_loop3A_144 {strides = array<i32>} : memref<4032xf32, #tpu.memory_space<vmem>>, vector<16xf32>,
      %parallel_loop3A_149 = arith.constant -5.000000e-01 : f32
      %parallel_loop3A_150 = vector.broadcast %parallel_loop3A_149 : f32 to vector<16xf32>
      %parallel_loop3A_151 = arith.mulf %parallel_loop3A_150, %parallel_loop3A_43 : vector<16xf32>
      %parallel_loop3A_152 = math.exp %parallel_loop3A_151 : vector<16xf32>
      %parallel_loop3A_153 = arith.constant 3024 : i32
      %parallel_loop3A_154 = arith.addi %parallel_loop3A_153, %parallel_loop3A_39 : i32
      %parallel_loop3A_155 = arith.index_cast %parallel_loop3A_154 : i32 to index
      %parallel_loop3A_156 = tpu.vector_load %arg10[%parallel_loop3A_155] {strides = array<i32>} : memref<4032xf32, #tpu.memory_space<vmem>>, vector<16xf32>,
      tpu.vector_store %arg10[%parallel_loop3A_155], %parallel_loop3A_152 {strides = array<i32>} : memref<4032xf32, #tpu.memory_space<vmem>>, vector<16xf32>,
    } {sc.loop_unroll_factor = 2 : i64, sc.parallel_access}
    %dma_wait3A_24 = tpu.memref_slice %arg2[%mul3A_2] : memref<16384xi32, #tpu.memory_space<hbm>> -> memref<1024xi32, #tpu.memory_space<hbm>>
    %dma_wait3A_25 = tpu.memref_slice %arg2[%mul3A_2] : memref<16384xi32, #tpu.memory_space<hbm>> -> memref<1024xi32, #tpu.memory_space<hbm>>
    tpu.wait_dma2 semaphore(%arg14 : memref<!tpu.dma_semaphore, #tpu.memory_space<semaphore_mem>>) src(%dma_wait3A_25 : memref<1024xi32, #tpu.memory_space<hbm>>) dst(%arg11 : memref<1024xi32, #tpu.memory_space<vmem>>)
    %parallel_loop3A_26 = arith.constant 0 : i32
    %parallel_loop3A_27 = arith.constant 64 : i32
    %parallel_loop3A_28 = arith.constant 1 : i32
    scf.for %parallel_loop3A_37 = %parallel_loop3A_26 to %parallel_loop3A_27 step %parallel_loop3A_28  : i32 {
      %parallel_loop3A_38 = arith.constant 16 : i32
      %parallel_loop3A_39 = arith.muli %parallel_loop3A_37, %parallel_loop3A_38 : i32
      %parallel_loop3A_40 = arith.index_cast %parallel_loop3A_39 : i32 to index
      %parallel_loop3A_41 = tpu.vector_load %arg11[%parallel_loop3A_40] {strides = array<i32>} : memref<1024xi32, #tpu.memory_space<vmem>>, vector<16xi32>,
      %parallel_loop3A_42 = tpu.vector_load_idx %arg5[%parallel_loop3A_41] : memref<1008xf32, #tpu.memory_space<vmem>>[vector<16xi32>], vector<16xf32>,
      %parallel_loop3A_43 = arith.constant 0 : i32
      %parallel_loop3A_44 = arith.addi %parallel_loop3A_43, %parallel_loop3A_39 : i32
      %parallel_loop3A_45 = arith.index_cast %parallel_loop3A_44 : i32 to index
      %parallel_loop3A_46 = tpu.vector_load %arg12[%parallel_loop3A_45] {strides = array<i32>} : memref<6144xf32, #tpu.memory_space<vmem>>, vector<16xf32>,
      tpu.vector_store %arg12[%parallel_loop3A_45], %parallel_loop3A_42 {strides = array<i32>} : memref<6144xf32, #tpu.memory_space<vmem>>, vector<16xf32>,
      %parallel_loop3A_47 = arith.constant 0 : i32
      %parallel_loop3A_48 = vector.broadcast %parallel_loop3A_47 : i32 to vector<16xi32>
      %parallel_loop3A_49 = arith.addi %parallel_loop3A_41, %parallel_loop3A_48 : vector<16xi32>
      %parallel_loop3A_50 = tpu.vector_load_idx %arg10[%parallel_loop3A_49] : memref<4032xf32, #tpu.memory_space<vmem>>[vector<16xi32>], vector<16xf32>,
      %parallel_loop3A_51 = arith.constant 1024 : i32
      %parallel_loop3A_52 = arith.addi %parallel_loop3A_51, %parallel_loop3A_39 : i32
      %parallel_loop3A_53 = arith.index_cast %parallel_loop3A_52 : i32 to index
      %parallel_loop3A_54 = tpu.vector_load %arg12[%parallel_loop3A_53] {strides = array<i32>} : memref<6144xf32, #tpu.memory_space<vmem>>, vector<16xf32>,
      tpu.vector_store %arg12[%parallel_loop3A_53], %parallel_loop3A_50 {strides = array<i32>} : memref<6144xf32, #tpu.memory_space<vmem>>, vector<16xf32>,
      %parallel_loop3A_55 = tpu.vector_load_idx %arg9[%parallel_loop3A_41] : memref<1008xf32, #tpu.memory_space<vmem>>[vector<16xi32>], vector<16xf32>,
      %parallel_loop3A_56 = arith.constant 2048 : i32
      %parallel_loop3A_57 = arith.addi %parallel_loop3A_56, %parallel_loop3A_39 : i32
      %parallel_loop3A_58 = arith.index_cast %parallel_loop3A_57 : i32 to index
      %parallel_loop3A_59 = tpu.vector_load %arg12[%parallel_loop3A_58] {strides = array<i32>} : memref<6144xf32, #tpu.memory_space<vmem>>, vector<16xf32>,
      tpu.vector_store %arg12[%parallel_loop3A_58], %parallel_loop3A_55 {strides = array<i32>} : memref<6144xf32, #tpu.memory_space<vmem>>, vector<16xf32>,
      %parallel_loop3A_60 = arith.constant 1008 : i32
      %parallel_loop3A_61 = vector.broadcast %parallel_loop3A_60 : i32 to vector<16xi32>
      %parallel_loop3A_62 = arith.addi %parallel_loop3A_41, %parallel_loop3A_61 : vector<16xi32>
      %parallel_loop3A_63 = tpu.vector_load_idx %arg10[%parallel_loop3A_62] : memref<4032xf32, #tpu.memory_space<vmem>>[vector<16xi32>], vector<16xf32>,
      %parallel_loop3A_64 = arith.constant 3072 : i32
      %parallel_loop3A_65 = arith.addi %parallel_loop3A_64, %parallel_loop3A_39 : i32
      %parallel_loop3A_66 = arith.index_cast %parallel_loop3A_65 : i32 to index
      %parallel_loop3A_67 = tpu.vector_load %arg12[%parallel_loop3A_66] {strides = array<i32>} : memref<6144xf32, #tpu.memory_space<vmem>>, vector<16xf32>,
      tpu.vector_store %arg12[%parallel_loop3A_66], %parallel_loop3A_63 {strides = array<i32>} : memref<6144xf32, #tpu.memory_space<vmem>>, vector<16xf32>,
      %parallel_loop3A_68 = arith.constant 2016 : i32
      %parallel_loop3A_69 = vector.broadcast %parallel_loop3A_68 : i32 to vector<16xi32>
      %parallel_loop3A_70 = arith.addi %parallel_loop3A_41, %parallel_loop3A_69 : vector<16xi32>
      %parallel_loop3A_71 = tpu.vector_load_idx %arg10[%parallel_loop3A_70] : memref<4032xf32, #tpu.memory_space<vmem>>[vector<16xi32>], vector<16xf32>,
      %parallel_loop3A_72 = arith.constant 4096 : i32
      %parallel_loop3A_73 = arith.addi %parallel_loop3A_72, %parallel_loop3A_39 : i32
      %parallel_loop3A_74 = arith.index_cast %parallel_loop3A_73 : i32 to index
      %parallel_loop3A_75 = tpu.vector_load %arg12[%parallel_loop3A_74] {strides = array<i32>} : memref<6144xf32, #tpu.memory_space<vmem>>, vector<16xf32>,
      tpu.vector_store %arg12[%parallel_loop3A_74], %parallel_loop3A_71 {strides = array<i32>} : memref<6144xf32, #tpu.memory_space<vmem>>, vector<16xf32>,
      %parallel_loop3A_76 = arith.constant 3024 : i32
      %parallel_loop3A_77 = vector.broadcast %parallel_loop3A_76 : i32 to vector<16xi32>
      %parallel_loop3A_78 = arith.addi %parallel_loop3A_41, %parallel_loop3A_77 : vector<16xi32>
      %parallel_loop3A_79 = tpu.vector_load_idx %arg10[%parallel_loop3A_78] : memref<4032xf32, #tpu.memory_space<vmem>>[vector<16xi32>], vector<16xf32>,
      %parallel_loop3A_80 = arith.constant 5120 : i32
      %parallel_loop3A_81 = arith.addi %parallel_loop3A_80, %parallel_loop3A_39 : i32
      %parallel_loop3A_82 = arith.index_cast %parallel_loop3A_81 : i32 to index
      %parallel_loop3A_83 = tpu.vector_load %arg12[%parallel_loop3A_82] {strides = array<i32>} : memref<6144xf32, #tpu.memory_space<vmem>>, vector<16xf32>,
      tpu.vector_store %arg12[%parallel_loop3A_82], %parallel_loop3A_79 {strides = array<i32>} : memref<6144xf32, #tpu.memory_space<vmem>>, vector<16xf32>,
    } {sc.loop_unroll_factor = 2 : i64, sc.parallel_access}
    %scan3A = arith.constant 0 : i32
    %scan3A_29 = arith.constant 0 : i32
    %scan3A_30 = arith.constant 6 : i32
    %scan3A_31 = arith.addi %scan3A_29, %scan3A_30 : i32
    %scan3A_32 = arith.constant 1 : i32
    %scan3A_33 = scf.for %scan3A_37 = %scan3A_29 to %scan3A_31 step %scan3A_32 iter_args(%scan3A_38 = %scan3A) -> (i32)  : i32 {
      %mul3A_39 = arith.constant 1024 : i32
      %mul3A_40 = arith.muli %scan3A_37, %mul3A_39 : i32
      %mul3A_41 = arith.constant 16384 : i32
      %mul3A_42 = arith.muli %scan3A_37, %mul3A_41 : i32
      %add3A_43 = arith.addi %mul3A_42, %mul3A_2 : i32
      %dma_start3A_44 = tpu.memref_slice %arg12[%mul3A_40] : memref<6144xf32, #tpu.memory_space<vmem>> -> memref<1024xf32, #tpu.memory_space<vmem>>
      %dma_start3A_45 = tpu.memref_slice %arg4[%add3A_43] : memref<98304xf32, #tpu.memory_space<hbm>> -> memref<1024xf32, #tpu.memory_space<hbm>>
      %dma_start3A_46 = tpu.memref_slice %arg4[%add3A_43] : memref<98304xf32, #tpu.memory_space<hbm>> -> memref<1024xf32, #tpu.memory_space<hbm>>
      %dma_start3A_47 = tpu.memref_slice %arg12[%mul3A_40] : memref<6144xf32, #tpu.memory_space<vmem>> -> memref<1024xf32, #tpu.memory_space<vmem>>
      tpu.enqueue_dma source(%dma_start3A_47 : memref<1024xf32, #tpu.memory_space<vmem>>) target(%dma_start3A_46 : memref<1024xf32, #tpu.memory_space<hbm>>) target_semaphore(%arg15 : memref<!tpu.dma_semaphore, #tpu.memory_space<semaphore_mem>>)
      %scan3A_48 = arith.constant 0 : i32
      scf.yield %scan3A_48 : i32
    }
    %scan3A_34 = arith.constant 6 : i32
    %dma_wait3A_35 = tpu.memref_slice %arg4[%mul3A_2] : memref<98304xf32, #tpu.memory_space<hbm>> -> memref<6144xf32, #tpu.memory_space<hbm>>
    %dma_wait3A_36 = tpu.memref_slice %arg4[%mul3A_2] : memref<98304xf32, #tpu.memory_space<hbm>> -> memref<6144xf32, #tpu.memory_space<hbm>>
    tpu.wait_dma2 semaphore(%arg15 : memref<!tpu.dma_semaphore, #tpu.memory_space<semaphore_mem>>) src(%arg12 : memref<6144xf32, #tpu.memory_space<vmem>>) dst(%dma_wait3A_36 : memref<6144xf32, #tpu.memory_space<hbm>>)
    return
  }
}

</mosaic_0001>

<sc_bundles>
// kernel: kernel.3.cloned.1.call-start
scs
__scs_entry_jumppad:
0x0: {  	(pc) =	sbr.rel $0x88, $3  }
0x1: {  	(tag) =	ssettag $0x0;
	lr =	simm.s32 $0x1  }
0x2: {  	[smem:$0x3F9F] =	sst lr;
	_ =	strace $0xD0000000  }
0x3: {  	_ = 	snop  }
0x4: {  	_ = 	snop  }
0x5: {  	_ = 	snop  }
0x6: {  	_ = 	snop  }
0x7: {  	_ = 	snop  }
__scs_overlays_trampoline_lowered:
0x8: {  	[smem:$0x3FAE] =	sst s0  }
0x9: {  	[smem:$0x3FAF] =	sst s1  }
0xa: {  	[smem:$0x3FB0] =	sst s2  }
0xb: {  	[smem:$0x3FB1] =	sst s3  }
0xc: {  	[smem:$0x3FB2] =	sst s4  }
0xd: {  	[smem:$0x3FB3] =	sst s5  }
0xe: {  	[smem:$0x3FB4] =	sst s6  }
0xf: {  	[smem:$0x3FB5] =	sst s7  }
0x10: {  	[smem:$0x3FB6] =	sst s8  }
0x11: {  	[smem:$0x3FB7] =	sst s9;
	s0 =	simm.s32 @!p0 $0x0  }
0x12: {  	s1 =	sld [smem:$0x3F9D];
	s0 =	simm.s32 @p0 $0x1  }
0x13: {  	[smem:$0x3FB8] =	sst s0;
	s0 =	simm.s32 @!p1 $0x0  }
0x14: {  	s2 =	sld [smem:$0x3F9C];
	s0 =	simm.s32 @p1 $0x1  }
0x15: {  	[smem:$0x3FB9] =	sst s0;
	s0 =	simm.s32 @!p2 $0x0  }
0x16: {  	s3 =	sld [smem:$0x3FDB];
	s0 =	simm.s32 @p2 $0x1  }
0x17: {  	s4 =	simm.s32 $0x1BF5;
	[smem:$0x3FBB] =	sst s0  }
0x18: {  	s0 =	sld [smem:$0x3F9E];
	_ =	swait.ge [sflag:s4], $0x0  }
0x19: {  	s7 =	sld [smem:$0x3F9F]  }
0x1a: {  	s8 =	sadd.s32 $0xFFFFE003, lr  }
0x1b: {  	s9 =	sadd.s32 $0xFFFFFEF7, lr;
	s5 =	simm.s32 $0xFFFFFFFF;
	p2 =	slt.u32 s8, $0xFFFFF086  }
0x1c: {  	p1 =	slt.u32 s9, $0xF7A;
	s5 =	simm.s32 @!p2 $0x0  }
0x1d: {  	s5 =	simm.s32 @p1 $0x1;
	p0 =	seq.s32 s7, s2  }
0x1e: {  	s7 =	smul.u32 @!p0 $0xF7A, s2;
	p2 =	seq.s32 @!p0 s5, $0x0  }
0x1f: {  	s9 =	smul.u32 $0xF7A, s1;
	s8 =	simm.s32 @!p0 $0x1BF5;
	p2 =	por !p2, p0  }
0x20: {  	[sflag:s8] =	ssyncset.s32 @!p0 $0xFFFFF086;
	s6 =	sadd.s32 @!p0 s3, s7;
	s7 =	simm.s32 @!p0 $0x108  }
0x21: {  	s3 =	sadd.s32 s3, s9;
	s6 =	sadd.s32 @!p0 $0x88, s6;
	s7 =	simm.s32 @p2 $0x1082  }
0x22: {  	[simem:s7], [sflag:s8] =	dma.local @!p0 [hbm:s6], $0xF7A  }
0x23: {  	s9 =	sor.u32 $0xD0000000, s2;
	s6 =	simm.s32 $0x108;
	_ =	swait.ge @!p0 [sflag:s8], $0x0  }
0x24: {  	s3 =	sadd.s32 $0x88, s3;
	s6 =	simm.s32 @!p1 $0x1082;
	[sflag:s4] =	ssyncset.s32 $0xFFFFF086  }
0x25: {  	[simem:s6], [sflag:s4] =	dma.local [hbm:s3], $0xF7A  }
0x26: {  	[smem:$0x3F9F] =	sst s1;
	(tag) =	ssettag s2;
	_ =	strace s9  }
0x27: {  	s1 =	sld [smem:$0x3FAF]  }
0x28: {  	s2 =	sld [smem:$0x3FB0]  }
0x29: {  	s4 =	sld [smem:$0x3FB2]  }
0x2a: {  	p0 =	seq.s32 s5, $0x0;
	s5 =	sld [smem:$0x3FB3]  }
0x2b: {  	s6 =	sld [smem:$0x3FB4]  }
0x2c: {  	s7 =	sld [smem:$0x3FB5]  }
0x2d: {  	s3 =	simm.s32 $0x108;
	s8 =	sld [smem:$0x3FB6]  }
0x2e: {  	s3 =	simm.s32 @!p0 $0x1082;
	s9 =	sld [smem:$0x3FB7]  }
0x2f: {  	lr =	sadd.s32 s0, s3;
	s0 =	sld [smem:$0x3FAE]  }
0x30: {  	s3 =	sld [smem:$0x3FB1]  }
0x31: {  	[smem:$0x3FBA] =	sst s10  }
0x32: {  	s10 =	sld [smem:$0x3FB8];
	_ =	sdelay $0x3  }
0x33: {  	p0 =	seq.s32 s10, $0x1;
	s10 =	sld [smem:$0x3FBA];
	_ =	sdelay $0x3  }
0x34: {  	[smem:$0x3FBA] =	sst s10  }
0x35: {  	s10 =	sld [smem:$0x3FB9];
	_ =	sdelay $0x3  }
0x36: {  	p1 =	seq.s32 s10, $0x1;
	s10 =	sld [smem:$0x3FBA];
	_ =	sdelay $0x3  }
0x37: {  	[smem:$0x3FBA] =	sst s10  }
0x38: {  	s10 =	sld [smem:$0x3FBB]  }
0x39: {  	_ = 	snop;
	(pc) =	sbr.ind lr, $3  }
0x3a: {  	_ = 	snop  }
0x3b: {  	_ = 	snop  }
0x3c: {  	p2 =	seq.s32 s10, $0x1;
	s10 =	sld [smem:$0x3FBA]  }
0x3d: {  	_ =	shalt  }
0x3e: {  	_ =	shalt  }
0x3f: {  	_ =	shalt  }
0x40: {  	_ =	shalt  }
0x41: {  	_ =	shalt  }
0x42: {  	_ =	shalt  }
0x43: {  	_ =	shalt  }
0x44: {  	_ =	shalt  }
0x45: {  	_ =	shalt  }
0x46: {  	_ =	shalt  }
0x47: {  	_ =	shalt  }
0x48: {  	_ =	shalt  }
0x49: {  	_ =	shalt  }
0x4a: {  	_ =	shalt  }
0x4b: {  	_ =	shalt  }
0x4c: {  	_ =	shalt  }
0x4d: {  	_ =	shalt  }
0x4e: {  	_ =	shalt  }
0x4f: {  	_ =	shalt  }
0x50: {  	_ =	shalt  }
0x51: {  	_ =	shalt  }
0x52: {  	_ =	shalt  }
0x53: {  	_ =	shalt  }
0x54: {  	_ =	shalt  }
0x55: {  	_ =	shalt  }
0x56: {  	_ =	shalt  }
0x57: {  	_ =	shalt  }
0x58: {  	_ =	shalt  }
0x59: {  	_ =	shalt  }
0x5a: {  	_ =	shalt  }
0x5b: {  	_ =	shalt  }
0x5c: {  	_ =	shalt  }
0x5d: {  	_ =	shalt  }
0x5e: {  	_ =	shalt  }
0x5f: {  	_ =	shalt  }
0x60: {  	_ =	shalt  }
0x61: {  	_ =	shalt  }
0x62: {  	_ =	shalt  }
0x63: {  	_ =	shalt  }
0x64: {  	_ =	shalt  }
0x65: {  	_ =	shalt  }
0x66: {  	_ =	shalt  }
0x67: {  	_ =	shalt  }
0x68: {  	_ =	shalt  }
0x69: {  	_ =	shalt  }
0x6a: {  	_ =	shalt  }
0x6b: {  	_ =	shalt  }
0x6c: {  	_ =	shalt  }
0x6d: {  	_ =	shalt  }
0x6e: {  	_ =	shalt  }
0x6f: {  	_ =	shalt  }
0x70: {  	_ =	shalt  }
0x71: {  	_ =	shalt  }
0x72: {  	_ =	shalt  }
0x73: {  	_ =	shalt  }
0x74: {  	_ =	shalt  }
0x75: {  	_ =	shalt  }
0x76: {  	_ =	shalt  }
0x77: {  	_ =	shalt  }
0x78: {  	_ =	shalt  }
0x79: {  	_ =	shalt  }
0x7a: {  	_ =	shalt  }
0x7b: {  	_ =	shalt  }
0x7c: {  	_ =	shalt  }
0x7d: {  	_ =	shalt  }
0x7e: {  	_ =	shalt  }
0x7f: {  	_ =	shalt  }
0x80: {  	_ =	shalt  }
0x81: {  	_ =	shalt  }
0x82: {  	_ =	shalt  }
0x83: {  	_ =	shalt  }
0x84: {  	_ =	shalt  }
0x85: {  	_ =	shalt  }
0x86: {  	_ =	shalt  }
0x87: {  	_ =	shalt  }
.Lfunc_end0:
.L_simem_size_0:
called_computation_lowered:
.L_overlay_start_0:
0x88: {  	s0 =	sld [smem:$0x3FD9]  }
0x89: {  	s1 =	sld [smem:$0x3FFE];
	_ =	sdelay $0x3  }
0x8a: {  	s0 =	sadd.s32 s1, s0  }
0x8b: {  	[smem:$0x3FC6] =	sst s0  }
0x8c: {  	_ = 	snop  }
0x8d: {  	s0 =	sld [smem:$0x3FC9]  }
0x8e: {  	s17 =	sld [smem:$0x3FC8]  }
0x8f: {  	s2 =	sld [smem:$0x3FD0];
	(tm) =	ssettm $0x1  }
0x90: {  	s3 =	sld [smem:$0x3FFB];
	_ =	sdelay $0x3  }
0x91: {  	_ =	strace s3  }
0x92: {  	s3 =	sld [smem:$0x3FFC];
	_ =	sdelay $0x3  }
0x93: {  	_ =	strace s3  }
0x94: {  	s3 =	sld [smem:$0x3FFD];
	_ =	sdelay $0x3  }
0x95: {  	_ =	strace s3  }
0x96: {  	_ =	strace $0x8FFFFFFF  }
0x97: {  	s18 =	sld [smem:$0x3FDB];
	_ =	sdelay $0x1  }
0x98: {  	s4 =	simm.s32 $_scs_section_size  }
0x99: {  	s5 =	simm.s32 $_size__tile_overlayer_lowered;
	s6 =	simm.s32 $_tile_overlayer_lowered  }
0x9a: {  	s21 =	simm.s32 $0x1BFF;
	s20 =	sshll.u32 s6, $0x1;
	s3 =	sadd.s32 s4, s18  }
0x9b: {  	s7 =	simm.s32 $0x0;
	s19 =	sshll.u32 s5, $0x1;
	s5 =	sadd.s32 s20, s3  }
0x9c: {  	[timem:s7], [sflag:s21] =	dma.local [hbm:s5], s19  }
0x9d: {  	_ =	swait.ge [sflag:s21], s19  }
0x9e: {  	s4 =	ssub.s32 $0x0, s19;
	[sflag:s21] =	ssyncset.done $0x0  }
0x9f: {  	[sflag:s21] =	ssyncadd.s32 s4;
	_ =	sdelay $0x1  }
0xa0: {  	s22 =	simm.s32 $0x1B8B  }
0xa1: {  	_ =	swait.ge [sflag:s22], $0x1  }
0xa2: {  	[sflag:s22] =	ssyncset.done $0x0  }
0xa3: {  	s23 =	simm.s32 $0x1B8E;
	[sflag:s22] =	ssyncadd.s32 $0xFFFFFFFF  }
0xa4: {  	s24 =	simm.s32 $execute0_lowered;
	[smem:$0x3FD2] =	sst s23  }
0xa5: {  	s4 =	sshll.u32 s24, $0x1;
	_ =	strace $0x80000046;
	[dreg:$0x1] =	wrdreg $0xFFFFFFFF  }
0xa6: {  	s25 =	simm.s32 $_size_execute0_lowered;
	s3 =	sadd.s32 s3, s4;
	[dreg:$0x0] =	wrdreg $0x0  }
0xa7: {  	s4 =	sshll.u32 s25, $0x1;
	[dreg:$0x2] =	wrdreg s3  }
0xa8: {  	[dreg:$0x3] =	wrdreg s4  }
0xa9: {  	[dreg:$0x4] =	wrdreg $0xC0  }
0xaa: {  	_ =	task [dreg:s7], $0x5FFFF  }
0xab: {  	[dreg:$0x1] =	wrdreg $0xFFFFFFFF  }
0xac: {  	[dreg:$0x0] =	wrdreg $0x60  }
0xad: {  	[dreg:$0x2] =	wrdreg s0  }
0xae: {  	[dreg:$0x3] =	wrdreg s17  }
0xaf: {  	[dreg:$0x4] =	wrdreg s2  }
0xb0: {  	[dreg:$0x5] =	wrdreg $0x9  }
0xb1: {  	_ =	task.clear_ibuf [dreg:s7], $0x6FFFF;
	_ =	strace $0x90000046  }
0xb2: {  	s26 =	simm.s32 $0x9;
	_ =	strace $0x80000048  }
0xb3: {  	_ =	swait.ge [sflag:s26], $0x1  }
0xb4: {  	[sflag:s26] =	ssyncadd.s32 $0xFFFFFFFF  }
0xb5: {  	_ =	strace $0x90000048  }
0xb6: {  	_ =	sfence  }
0xb7: {  	s28 =	sld [smem:$0x0];
	_ =	sdelay $0x1  }
0xb8: {  	s29 =	srdreg.scid  }
0xb9: {  	s30 =	sshll.u32 s29, $0xD;
	s31 =	sshrl.u32 s29, $0x2  }
0xba: {  	s1 =	sand.u32 $0x1, s29;
	s2 =	sand.u32 $0x4000, s30;
	s0 =	sadd.s32 s31, s28  }
0xbb: {  	s1 =	sor.u32 s2, s1;
	s0 =	sshll.u32 s0, $0x11  }
0xbc: {  	s0 =	sor.u32 s0, s1  }
0xbd: {  	s0 =	sadd.s32 $0x8F2B, s0  }
0xbe: {  	[sflag:s0] =	ssyncadd.remote.s32 $0x1  }
0xbf: {  	_ =	sfence.sel $0xFFFF  }
0xc0: {  	[dreg:$0x0] =	wrdreg $0xFFFFFFFF;
	(pc) =	sbr.abs _section_cstart, $3  }
0xc1: {  	[dreg:$0x1] =	wrdreg $0xFFFFFFFF  }
0xc2: {  	_ =	task.clear_ibuf [dreg:s7], $0x2FFFF;
	_ =	strace $0x9FFFFFFF  }
0xc3: {  	(tm) =	ssettm $0x7FFFFFFF  }
tec
execute0_lowered:
.L_overlay_start_1:
0x0: {  	(tag) =	ssettag $0x1  }
0x1: {  	s5 =	rddreg [dreg:$0x0]  }
0x2: {  	s6 =	rddreg [dreg:$0x1]  }
0x3: {  	s2 =	rddreg [dreg:$0x2];
	s4 =	simm.s32 $0x0  }
0x4: {  	s1 =	stileid.u32;
	v0 =	vimm.f32 $0.0e+00;
	[smem:$0x7FF] =	sst s4  }
0x5: {  	s0 =	rddreg [dreg:$0x3];
	s3 =	sshll.u32 s1, $0x7;
	_ =	strace $0x80000047;
	[tilespmem:$0x3E0] =	vst v0  }
0x6: {  	[tilespmem:s4], [sflag:$0x1] =	stream.linear.gather [hbm4b:s6+s4], $0x3E9, $0x38;
	[tilespmem:$0x3C80] =	vst v63  }
0x7: {  	s30 =	simm.s32 $0x2080;
	s31 =	simm.s32 $0x1;
	s5 =	sadd.s32 s5, s3  }
0x8: {  	[tilespmem:s30], [sflag:$0x2] =	stream.linear.gather [hbm4b:s5+s4], $0x400, $0x38;
	[tilespmem:$0x3C80] =	vst v63  }
0x9: {  	_ =	swait.ge [sflag:s31], $0x3E9  }
0xa: {  	[sflag:s31] =	ssyncset.done $0x0  }
0xb: {  	s7 =	simm.s32 $0x0;
	[sflag:s31] =	ssyncadd.s32 $0xFFFFFC17  }
0xc: {  	v3 =	vld [tilespmem:s7+$0x0];
	_ =	sdelay $0x4  }
0xd: {  	s6 =	simm.s32 $0x10;
	v1 =	vmul.f32 $2.000000030e-01, v3  }
0xe: {  	v4 =	vld [tilespmem:s6+$0x0]  }
0xf: {  	v1 =	vadd.f32 $2.500000000e-01, v1;
	_ =	sdelay $0x1  }
0x10: {  	v5 =	vmul.f32 v1, v3  }
0x11: {  	s5 =	simm.s32 $0x20  }
0x12: {  	v2 =	vmul.f32 $2.000000030e-01, v4;
	v1 =	vld [tilespmem:s5+$0x0];
	v5 =	vadd.f32 $3.333333430e-01, v5;
	_ =	sdelay $0x1  }
0x13: {  	v2 =	vadd.f32 $2.500000000e-01, v2;
	v5 =	vmul.f32 v5, v3;
	_ =	sdelay $0x1  }
0x14: {  	v2 =	vmul.f32 v2, v4;
	v5 =	vadd.f32 $5.000000000e-01, v5  }
0x15: {  	v6 =	vmul.f32 $2.000000030e-01, v1  }
0x16: {  	s8 =	simm.s32 $0x30;
	v7 =	vadd.f32 $3.333333430e-01, v2;
	v5 =	vmul.f32 v5, v3  }
0x17: {  	v2 =	vld [tilespmem:s8+$0x0];
	v6 =	vadd.f32 $2.500000000e-01, v6  }
0x18: {  	v7 =	vmul.f32 v7, v4;
	v3 =	vsub.f32 $0.0e+00, v3;
	v5 =	vadd.f32 $1.000000000e+00, v5;
	_ =	sdelay $0x1  }
0x19: {  	v7 =	vadd.f32 $5.000000000e-01, v7;
	v6 =	vmul.f32 v6, v1;
	v5 =	vmul.f32 v5, v3;
	_ =	sdelay $0x1  }
0x1a: {  	s9 =	simm.s32 $0x40;
	v8 =	vmul.f32 $2.000000030e-01, v2;
	v7 =	vmul.f32 v7, v4;
	v6 =	vadd.f32 $3.333333430e-01, v6;
	(xrf2) =	vadd.scan.msk.f32 $0xffff, v5  }
0x1b: {  	v4 =	vsub.f32 $0.0e+00, v4;
	v3 =	vld [tilespmem:s9+$0x0]  }
0x1c: {  	v8 =	vadd.f32 $2.500000000e-01, v8;
	v7 =	vadd.f32 $1.000000000e+00, v7;
	v9 =	vmul.f32 v6, v1;
	_ =	sdelay $0x1  }
0x1d: {  	v4 =	vmul.f32 v7, v4;
	v6 =	vmul.f32 v8, v2;
	[tilespmem:s7+$0x400] =	vst v5;
	v5 =	vadd.f32 $5.000000000e-01, v9  }
0x1e: {  	s10 =	simm.s32 $0x140  }
.LBB2_1:
0x1f: {  	s11 =	sshra.s32 s10, $0x2;
	p0 =	sne.s32 s10, $0xF80;
	s10 =	sadd.s32 $0x40, s10;
	v7 =	vmul.f32 $2.000000030e-01, v3;
	v6 =	vadd.f32 $3.333333430e-01, v6;
	v5 =	vmul.f32 v5, v1;
	(xrf2) =	vadd.scan.msk.f32 $0xffff, v4  }
.Ltmp0:
0x20: {  	v8 =	vsub.f32 $0.0e+00, v1;
	v1 =	vmov v2;
	v2 =	vmov v3;
	s12 =	smov.u32 s8;
	s8 =	smov.u32 s9;
	[tilespmem:s6+$0x400] =	vst v4;
	v3 =	vld [tilespmem:s11+$0x0];
	(pc) =	sbr.rel @p0 .LBB2_1-.Ltmp0, $3  }
0x21: {  	s9 =	smov.u32 s11;
	v4 =	vadd.f32 $2.500000000e-01, v7;
	v10 =	vmul.f32 v6, v1;
	v9 =	vadd.f32 $1.000000000e+00, v5;
	_ =	sdelay $0x1  }
0x22: {  	v6 =	vmul.f32 v4, v2;
	v5 =	vadd.f32 $5.000000000e-01, v10;
	v4 =	vmul.f32 v9, v8;
	v7, _, _ =	vpop (xrf2)  }
0x23: {  	[tilespmem:s7+$0x800] =	vst v7;
	s7 =	smov.u32 s6;
	s6 =	smov.u32 s5;
	s5 =	smov.u32 s12  }
0x24: {  	v7 =	vmul.f32 $2.000000030e-01, v3;
	_ =	sdelay $0x1  }
0x25: {  	v7 =	vadd.f32 $2.500000000e-01, v7;
	_ =	sdelay $0x1  }
0x26: {  	v7 =	vmul.f32 v7, v3  }
0x27: {  	v6 =	vadd.f32 $3.333333430e-01, v6  }
0x28: {  	v7 =	vadd.f32 $3.333333430e-01, v7  }
0x29: {  	v6 =	vmul.f32 v6, v2  }
0x2a: {  	v7 =	vmul.f32 v7, v3  }
0x2b: {  	v5 =	vmul.f32 v5, v1;
	v6 =	vadd.f32 $5.000000000e-01, v6  }
0x2c: {  	v7 =	vadd.f32 $5.000000000e-01, v7  }
0x2d: {  	v1 =	vsub.f32 $0.0e+00, v1;
	v5 =	vadd.f32 $1.000000000e+00, v5;
	v6 =	vmul.f32 v6, v2  }
0x2e: {  	v7 =	vmul.f32 v7, v3  }
0x2f: {  	(xrf2) =	vadd.scan.msk.f32 $0xffff, v4;
	v5 =	vmul.f32 v5, v1;
	v1 =	vsub.f32 $0.0e+00, v2;
	v2 =	vadd.f32 $1.000000000e+00, v6  }
0x30: {  	v3 =	vsub.f32 $0.0e+00, v3;
	v59 =	vadd.f32 $1.000000000e+00, v7  }
0x31: {  	(xrf2) =	vadd.scan.msk.f32 $0xffff, v5;
	v2 =	vmul.f32 v2, v1  }
0x32: {  	v3 =	vmul.f32 v59, v3  }
0x33: {  	(xrf2) =	vadd.scan.msk.f32 $0xffff, v2  }
0x34: {  	(xrf2) =	vadd.scan.msk.f32 $0xffff, v3;
	_ =	sdelay $0x1  }
0x35: {  	v1 =	vlaneseq.u32  }
0x36: {  	[tilespmem:s6+$0x400] =	vst v4;
	v60, _, _ =	vpop (xrf2);
	v61 =	vor.u32 s4, v1  }
0x37: {  	[tilespmem:s7+$0x800] =	vst v60;
	vm0 =	vlt.s32 v61, $0x3E  }
0x38: {  	[tilespmem:s5+$0x400] =	vst v5;
	v62, _, _ =	vpop (xrf2);
	v4 =	vnsel vm0, $0x3E, v61  }
0x39: {  	[tilespmem:s6+$0x800] =	vst v62;
	v4 =	vshll.u32 v4, $0x4  }
0x3a: {  	[tilespmem:s8+$0x400] =	vst v2;
	v2 =	vor.u32 $0xF, v4;
	v63, _, _ =	vpop (xrf2)  }
0x3b: {  	[tilespmem:s5+$0x800] =	vst v63  }
0x3c: {  	[tilespmem:s9+$0x400] =	vst v3;
	v3, _, _ =	vpop (xrf2)  }
0x3d: {  	[tilespmem:s8+$0x800] =	vst v3;
	v3, _, _ =	vpop (xrf2)  }
0x3e: {  	s4 =	simm.s32 $0x800;
	[tilespmem:s9+$0x800] =	vst v3  }
0x3f: {  	v2 =	vld.idx.msk [tilespmem:v2+s4+$0x0], $0xffff;
	_ =	sdelay $0x4  }
0x40: {  	(xrf2) =	vadd.scan.msk.f32 $0xffff, v2  }
0x41: {  	s5 =	simm.s32 $0x10  }
0x42: {  	v2 =	vor.u32 s5, v1  }
0x43: {  	vm15 =	vlt.s32 v2, $0x3E  }
0x44: {  	v2 =	vnsel vm15, $0x3E, v2  }
0x45: {  	v2 =	vshll.u32 v2, $0x4  }
0x46: {  	v2 =	vor.u32 $0xF, v2;
	_ =	sdelay $0x3  }
0x47: {  	s31 =	simm.s32 $0xF;
	v3, _, _ =	vpop (xrf2)  }
0x48: {  	v3 =	vadd.f32 v3, v0;
	v0 =	vld.idx.msk [tilespmem:v2+s4+$0x0], $0xffff;
	v2 =	vmov s31;
	_ =	sdelay $0x1  }
0x49: {  	s8 =	simm.s32 $0xC00  }
0x4a: {  	s7 =	simm.s32 $0x20;
	s6 =	simm.s32 $0xC00;
	[tilespmem:s8+$0x0] =	vst v3  }
.LBB2_3:
0x4b: {  	p0 =	sne.s32 s7, $0x30  }
0x4c: {  	v3 =	vld.idx.msk [tilespmem:v2+s8+$0x0], $0xffff;
	s6 =	sadd.s32 $0x10, s6;
	s9 =	smov.u32 s7;
	s7 =	sadd.s32 $0x10, s7  }
0x4d: {  	v2 =	vor.u32 s9, v1;
	(xrf2) =	vadd.scan.msk.f32 $0xffff, v0  }
0x4e: {  	vm0 =	vlt.s32 v2, $0x3E  }
0x4f: {  	v0 =	vnsel vm0, $0x3E, v2  }
0x50: {  	v0 =	vshll.u32 v0, $0x4  }
0x51: {  	v0 =	vor.u32 $0xF, v0;
	_ =	sdelay $0x3  }
0x52: {  	s10 =	sadd.s32 $0xF, s5;
	s5 =	smov.u32 s9  }
.Ltmp1:
0x53: {  	v2 =	vmov s10;
	v0 =	vld.idx.msk [tilespmem:v0+s4+$0x0], $0xffff;
	(pc) =	sbr.rel @p0 .LBB2_3-.Ltmp1, $3  }
0x54: {  	v4, _, _ =	vpop (xrf2)  }
0x55: {  	v3 =	vadd.f32 v4, v3;
	_ =	sdelay $0x1  }
0x56: {  	[tilespmem:s6+$0x0] =	vst v3  }
0x57: {  	(xrf2) =	vadd.scan.msk.f32 $0xffff, v0;
	_ =	sdelay $0x3  }
0x58: {  	s7 =	simm.s32 $0x0  }
0x59: {  	s4 =	smax.u32 s7, $0x1  }
0x5a: {  	v0 =	vld.idx.msk [tilespmem:v2+s8+$0x0], $0xffff;
	s4 =	sadd.s32 $0xFFFFFFFF, s4  }
0x5b: {  	v1 =	vmov s4  }
0x5c: {  	v1 =	vand.u32 $0x7FFFFFFF, v1  }
0x5d: {  	v1 =	vbroadcast v1, $0x0  }
0x5e: {  	v2, _, _ =	vpop (xrf2)  }
0x5f: {  	v0 =	vadd.f32 v2, v0  }
0x60: {  	s25 =	sadd.s32 $0x10, s6  }
0x61: {  	s5 =	simm.s32 $0x10;
	v2 =	vmov s7;
	[tilespmem:s25+$0x0] =	vst v0  }
0x62: {  	s4 =	simm.s32 $0xC00;
	v0 =	vand.u32 $0x7FFFFFFE, v2;
	v9 =	vld [tilespmem:s5+$0x0]  }
0x63: {  	s26 =	simm.s32 $0x810;
	v0 =	vbroadcast v0, $0x0;
	v1 =	vld.idx.msk [tilespmem:v1+s4+$0x0], $0xffff  }
0x64: {  	s28 =	simm.s32 $0x410;
	v2 =	vld [tilespmem:s26+$0xFFFFFFF0]  }
0x65: {  	v3 =	vld [tilespmem:s28+$0x0]  }
0x66: {  	v10 =	vld [tilespmem:s5+$0xFFFFFFF0];
	_ =	sdelay $0x1  }
0x67: {  	v7 =	vld [tilespmem:s26+$0x0];
	v4 =	vshra.s32 v9, $0x1;
	v5 =	vmul.f32 $5.000000000e-01, v9  }
0x68: {  	p0 =	por $0x1, $0x1;
	v4 =	vsub.s32 $0x5F3759DF, v4;
	v0 =	vld.idx.msk [tilespmem:v0+s4+$0x0], $0xffff  }
0x69: {  	v1 =	vpsel p0, $0x0, v1;
	v3 =	vmul.f32 $-5.000000000e-01, v3;
	v6 =	vmul.f32 v4, v5  }
0x6a: {  	v8 =	vmul.f32 $5.000000000e-01, v10;
	v1 =	vadd.f32 v1, v2;
	v2 =	vshra.s32 v10, $0x1  }
0x6b: {  	v2 =	vsub.s32 $0x5F3759DF, v2;
	v13 =	vmul.f32 $1.442695020e+00, v3;
	v6 =	vmul.f32 v4, v6  }
0x6c: {  	v11 =	vmul.f32 $1.442695020e+00, v1;
	v12 =	vmul.f32 v2, v8  }
0x6d: {  	v1 =	vmul.f32 $5.000000000e-01, v1;
	v6 =	vsub.f32 $1.500000000e+00, v6;
	v0 =	vadd.f32 v7, v0  }
0x6e: {  	s29 =	simm.s32 $0x2;
	(erf) = vpow2.f32 v11;
	v3 =	vmul.f32 v2, v12  }
0x6f: {  	s30 =	smax.u32 s29, $0x1;
	s5 =	simm.s32 $0x30;
	v11 =	vld [tilespmem:s28+$0xFFFFFFF0];
	v4 =	vmul.f32 v4, v6;
	v6 =	vmul.f32 $1.442695020e+00, v0  }
0x70: {  	s9 =	sadd.s32 $0xFFFFFFFF, s30;
	v1 =	vmul.f32 $1.442695020e+00, v1;
	v3 =	vsub.f32 $1.500000000e+00, v3;
	v7 =	vmul.f32 $5.000000000e-01, v0;
	v0 =	vld [tilespmem:s5+$0x0]  }
0x71: {  	v12 =	vmov s9;
	v5 =	vmul.f32 v4, v5;
	(erf) = vpow2.f32 v6  }
0x72: {  	v6 =	vand.u32 $0x7FFFFFFF, v12;
	v7 =	vmul.f32 $1.442695020e+00, v7;
	v12 =	vmul.f32 v2, v3  }
0x73: {  	(erf) = vpow2.f32 v1;
	v1 =	vmov s29;
	v5 =	vmul.f32 v5, v4  }
0x74: {  	s31 =	simm.s32 $0x430;
	v6 =	vbroadcast v6, $0x0;
	(erf) = vpow2.f32 v7;
	v2 =	vand.u32 $0x7FFFFFFE, v1  }
0x75: {  	v7 =	vld [tilespmem:s31+$0x0];
	v15 =	vmul.f32 $5.000000000e-01, v0;
	v3 =	vsub.f32 $1.500000000e+00, v5;
	v5 =	vmul.f32 $-5.000000000e-01, v11  }
0x76: {  	v1 =	vld [tilespmem:s5+$0xFFFFFFF0];
	v11 =	vbroadcast v2, $0x0;
	v2 =	vmul.f32 v12, v8;
	v8 =	vshra.s32 v0, $0x1  }
0x77: {  	v17 =	vsub.s32 $0x5F3759DF, v8;
	v16 =	vmul.f32 v3, v4  }
0x78: {  	v4 =	vmul.f32 v2, v12;
	v2 =	vmul.f32 v17, v15  }
0x79: {  	vm0 =	vgt.f32 v9, $0.0e+00;
	vm1 =	vgt.f32 v10, $0.0e+00;
	v14 =	vpop (erf)  }
0x7a: {  	s8 =	simm.s32 $0x830;
	(erf) = vpow2.f32 v13;
	v3 =	vsub.f32 $1.000000000e+00, v14;
	v18 =	vld.idx.msk [tilespmem:v6+s4+$0x0], $0xffff;
	v22 =	vmul.f32 v17, v2  }
0x7b: {  	v20 =	vld [tilespmem:s8+$0xFFFFFFF0];
	v5 =	vmul.f32 $1.442695020e+00, v5;
	v7 =	vmul.f32 $-5.000000000e-01, v7;
	v8 =	vshra.s32 v1, $0x1  }
0x7c: {  	v6 =	vmul.f32 $5.000000000e-01, v1;
	v23 =	vsub.f32 $1.500000000e+00, v4;
	v24 =	vld.idx.msk [tilespmem:v11+s4+$0x0], $0xffff;
	v11 =	vsub.f32 $1.500000000e+00, v22  }
0x7d: {  	v25 =	vld [tilespmem:s8+$0x0];
	v19 =	vshra.s32 v3, $0x1;
	v9 =	vmul.f32 v16, v9;
	v4 =	vmul.f32 $1.442695020e+00, v7  }
0x7e: {  	p6 =	por $0x0, $0x0;
	v8 =	vsub.s32 $0x5F3759DF, v8;
	v21 =	vpop (erf);
	v12 =	vmul.f32 v23, v12;
	v11 =	vmul.f32 v17, v11  }
0x7f: {  	v7 =	vmul.f32 v8, v6;
	v2 =	vsub.f32 $1.000000000e+00, v21;
	v13 =	vpsel p6, $0x0, v18  }
0x80: {  	v12 =	vmul.f32 v12, v10;
	v13 =	vadd.f32 v13, v20;
	v15 =	vmul.f32 v11, v15  }
0x81: {  	s10 =	simm.s32 $0xC90;
	v18 =	vmul.f32 v8, v7;
	v17 =	vshra.s32 v2, $0x1;
	v7 =	vmul.f32 $5.000000000e-01, v3  }
0x82: {  	[tilespmem:s10+$0xFFFFFFF0] =	vst v14;
	v12 =	vnsel vm1, $0x0, v12;
	v10 =	vmul.f32 $1.442695020e+00, v13;
	v62 =	vadd.f32 v25, v24  }
0x83: {  	s6 =	simm.s32 $0x1860;
	[tilespmem:s10+$0x0] =	vst v21;
	vm1 =	vgt.f32 v3, $0.0e+00;
	v13 =	vmul.f32 $5.000000000e-01, v13;
	v14 =	vmul.f32 v15, v11  }
0x84: {  	[tilespmem:s6+$0xFFFFF820] =	vst v12;
	(erf) = vpow2.f32 v10;
	v10 =	vsub.s32 $0x5F3759DF, v17;
	v16 =	vmul.f32 $1.442695020e+00, v62;
	v15 =	vpop (erf)  }
0x85: {  	v17 =	vmul.f32 $5.000000000e-01, v62;
	v63 =	vmul.f32 $1.442695020e+00, v13;
	[tilespmem:s6+$0xFFFFFC10] =	vst v15;
	v15 =	vnsel vm0, $0x0, v9  }
0x86: {  	s7 =	sand.u32 $0x3E0, s7;
	v13 =	vsub.s32 $0x5F3759DF, v19;
	v9 =	vmul.f32 $5.000000000e-01, v2;
	(erf) = vpow2.f32 v16;
	v12 =	vpop (erf);
	[tilespmem:s6+$0xFFFFF830] =	vst v15  }
0x87: {  	v16 =	vsub.f32 $1.500000000e+00, v18;
	v17 =	vmul.f32 $1.442695020e+00, v17;
	v18 =	vmul.f32 v13, v7;
	[tilespmem:s7+$0x1480] =	vst v12;
	v12 =	vld [tilespmem:s31+$0xFFFFFFF0]  }
0x88: {  	s14 =	simm.s32 $0x4;
	s11 =	simm.s32 $0x450;
	v19 =	vpop (erf);
	v15 =	vsub.f32 $1.500000000e+00, v14;
	(erf) = vpow2.f32 v63;
	v14 =	vmul.f32 v10, v9  }
0x89: {  	s9 =	simm.s32 $0x1860;
	s10 =	simm.s32 $0xCB0;
	vm0 =	vgt.f32 v0, $0.0e+00;
	(erf) = vpow2.f32 v17;
	v17 =	vmul.f32 v13, v18;
	s7 =	simm.s32 $0x20;
	[tilespmem:s6+$0x400] =	vst v19  }
.LBB2_5:
0x8a: {  	s15 =	smax.u32 s14, $0x1  }
0x8b: {  	v18 =	vld [tilespmem:s11+$0x0];
	v16 =	vmul.f32 v8, v16;
	s6 =	sadd.s32 $0x20, s6;
	(erf) = vpow2.f32 v5;
	s13 =	smov.u32 s14;
	s12 =	sadd.s32 $0x2, s14  }
0x8c: {  	p0 =	slt.u32 s14, $0x3C;
	s5 =	sadd.s32 $0x20, s5;
	s15 =	sadd.s32 $0xFFFFFFFF, s15;
	v5 =	vmul.f32 $-5.000000000e-01, v12;
	v12 =	vmul.f32 v15, v11;
	v8 =	vsub.f32 $1.500000000e+00, v17  }
0x8d: {  	v14 =	vmul.f32 v10, v14;
	v11 =	vmov s15;
	v15 =	vld [tilespmem:s5+$0x0];
	v6 =	vmul.f32 v16, v6;
	v17 =	vpop (erf)  }
0x8e: {  	v11 =	vand.u32 $0x7FFFFFFF, v11;
	v19 =	vsub.f32 $1.000000000e+00, v17;
	v13 =	vmul.f32 v13, v8  }
0x8f: {  	vm2 =	vgt.f32 v2, $0.0e+00;
	v8 =	vbroadcast v11, $0x0;
	[tilespmem:s10+$0xFFFFFFF0] =	vst v17;
	v11 =	vmul.f32 v6, v16  }
0x90: {  	v6 =	vmov s13;
	v17 =	vld [tilespmem:s5+$0xFFFFFFF0];
	v18 =	vmul.f32 $-5.000000000e-01, v18;
	v20 =	vpop (erf);
	v7 =	vmul.f32 v13, v7  }
0x91: {  	v5 =	vmul.f32 $1.442695020e+00, v5;
	v6 =	vand.u32 $0x7FFFFFFE, v6;
	v21 =	vshra.s32 v19, $0x1;
	[tilespmem:s10+$0x0] =	vst v20  }
0x92: {  	v14 =	vsub.f32 $1.500000000e+00, v14;
	v22 =	vbroadcast v6, $0x0;
	v26 =	vshra.s32 v15, $0x1;
	v23 =	vpop (erf)  }
0x93: {  	v20 =	vsub.f32 $1.000000000e+00, v20;
	v24 =	vmul.f32 $5.000000000e-01, v15;
	v7 =	vmul.f32 v7, v13;
	[tilespmem:s6+$0xFFFFFC10] =	vst v23;
	v23 =	vpop (erf)  }
0x94: {  	v10 =	vmul.f32 v10, v14;
	v18 =	vmul.f32 $1.442695020e+00, v18;
	v25 =	vsub.s32 $0x5F3759DF, v26;
	v6 =	vpop (erf)  }
0x95: {  	v26 =	vmul.f32 v25, v24;
	v7 =	vsub.f32 $1.500000000e+00, v7;
	v14 =	vld.idx.msk [tilespmem:v8+s4+$0x0], $0xffff;
	v8 =	vshra.s32 v17, $0x1;
	[tilespmem:s9+$0x3F0] =	vst v6  }
0x96: {  	s8 =	sadd.s32 $0x20, s8;
	v9 =	vmul.f32 v10, v9;
	v6 =	vmul.f32 $5.000000000e-01, v17;
	v8 =	vsub.s32 $0x5F3759DF, v8  }
0x97: {  	v11 =	vsub.f32 $1.500000000e+00, v11;
	v26 =	vmul.f32 v25, v26;
	v13 =	vmul.f32 v7, v13;
	v27 =	vld [tilespmem:s8+$0xFFFFFFF0]  }
0x98: {  	v28 =	vshra.s32 v20, $0x1;
	v9 =	vmul.f32 v9, v10;
	v7 =	vmul.f32 v8, v6;
	v22 =	vld.idx.msk [tilespmem:v22+s4+$0x0], $0xffff  }
0x99: {  	v16 =	vmul.f32 v11, v16;
	v26 =	vsub.f32 $1.500000000e+00, v26;
	v29 =	vld [tilespmem:s8+$0x0];
	(erf) = vpow2.f32 v4;
	v4 =	vmovc v18  }
0x9a: {  	p1 =	seq.s32 s13, $0x0;
	v9 =	vsub.f32 $1.500000000e+00, v9;
	v18 =	vmul.f32 v8, v7;
	v7 =	vmul.f32 $5.000000000e-01, v19  }
0x9b: {  	v13 =	vmul.f32 v13, v3;
	v3 =	vmovc v19;
	v14 =	vpsel p1, $0x0, v14;
	v11 =	vmul.f32 v25, v26  }
0x9c: {  	v16 =	vmul.f32 v16, v1;
	v9 =	vmul.f32 v9, v10;
	v14 =	vadd.f32 v14, v27  }
0x9d: {  	vm3 =	vgt.f32 v1, $0.0e+00;
	v1 =	vmovc v17;
	v13 =	vnsel vm1, $0x0, v13;
	v10 =	vmul.f32 v11, v24  }
0x9e: {  	v9 =	vmul.f32 v9, v2;
	v2 =	vmovc v20;
	v17 =	vmul.f32 $1.442695020e+00, v14;
	v19 =	vadd.f32 v29, v22;
	[tilespmem:s9+$0x0] =	vst v13  }
0x9f: {  	v12 =	vmul.f32 v12, v0;
	v0 =	vmovc v15;
	v13 =	vmul.f32 $5.000000000e-01, v14;
	v14 =	vnsel vm3, $0x0, v16  }
0xa0: {  	v15 =	vmul.f32 v10, v11;
	v10 =	vsub.s32 $0x5F3759DF, v28;
	(erf) = vpow2.f32 v17;
	[tilespmem:s6+$0xFFFFF820] =	vst v14  }
0xa1: {  	v16 =	vnsel vm2, $0x0, v9;
	v14 =	vmul.f32 $1.442695020e+00, v19;
	v17 =	vmul.f32 $5.000000000e-01, v19  }
.Ltmp2:
0xa2: {  	v20 =	vnsel vm0, $0x0, v12;
	v9 =	vmul.f32 $5.000000000e-01, v2;
	v19 =	vmul.f32 $1.442695020e+00, v13;
	v22 =	vpop (erf);
	[tilespmem:s9+$0x10] =	vst v16;
	s9 =	smov.u32 s6;
	(pc) =	sbr.rel @p0 .LBB2_5-.Ltmp2, $4  }
0xa3: {  	s13 =	sand.u32 $0x3E0, s7;
	vm1 =	vgt.f32 v3, $0.0e+00;
	v13 =	vsub.s32 $0x5F3759DF, v21;
	v12 =	vld [tilespmem:s11+$0xFFFFFFF0];
	(erf) = vpow2.f32 v14;
	[tilespmem:s6+$0xFFFFF830] =	vst v20  }
0xa4: {  	v16 =	vsub.f32 $1.500000000e+00, v18;
	v17 =	vmul.f32 $1.442695020e+00, v17;
	v18 =	vmul.f32 v13, v7;
	[tilespmem:s13+$0x1480] =	vst v23  }
0xa5: {  	s14 =	smov.u32 s12;
	v15 =	vsub.f32 $1.500000000e+00, v15;
	v14 =	vmul.f32 v10, v9;
	(erf) = vpow2.f32 v19;
	[tilespmem:s6+$0x400] =	vst v22  }
0xa6: {  	s7 =	sadd.s32 $0x20, s7;
	s10 =	sadd.s32 $0x20, s10;
	vm0 =	vgt.f32 v0, $0.0e+00;
	s11 =	sadd.s32 $0x20, s11;
	(erf) = vpow2.f32 v17;
	v17 =	vmul.f32 v13, v18  }
0xa7: {  	_ = 	snop  }
0xa8: {  	v17 =	vsub.f32 $1.500000000e+00, v17  }
0xa9: {  	v8 =	vmul.f32 v8, v16;
	(erf) = vpow2.f32 v5  }
0xaa: {  	v14 =	vmul.f32 v10, v14;
	v13 =	vmul.f32 v13, v17  }
0xab: {  	v11 =	vmul.f32 v15, v11;
	v5 =	vpop (erf);
	v6 =	vmul.f32 v8, v6  }
0xac: {  	v14 =	vsub.f32 $1.500000000e+00, v14;
	v15 =	vsub.f32 $1.000000000e+00, v5;
	v16 =	vpop (erf);
	v7 =	vmul.f32 v13, v7  }
0xad: {  	(erf) = vpow2.f32 v4;
	v6 =	vmul.f32 v6, v8;
	v18 =	vsub.f32 $1.000000000e+00, v16  }
0xae: {  	v17 =	vshra.s32 v15, $0x1;
	v19 =	vmul.f32 $5.000000000e-01, v15;
	v7 =	vmul.f32 v7, v13  }
0xaf: {  	v17 =	vsub.s32 $0x5F3759DF, v17;
	v20 =	vshra.s32 v18, $0x1;
	v21 =	vmul.f32 $5.000000000e-01, v18  }
0xb0: {  	v22 =	vmul.f32 v17, v19;
	v7 =	vsub.f32 $1.500000000e+00, v7;
	v20 =	vsub.s32 $0x5F3759DF, v20  }
0xb1: {  	v10 =	vmul.f32 v10, v14;
	v14 =	vmul.f32 v20, v21  }
0xb2: {  	v6 =	vsub.f32 $1.500000000e+00, v6;
	v7 =	vmul.f32 v7, v13;
	v13 =	vmul.f32 v17, v22  }
0xb3: {  	v9 =	vmul.f32 v10, v9;
	v14 =	vmul.f32 v20, v14  }
0xb4: {  	v6 =	vmul.f32 v6, v8;
	v8 =	vmul.f32 $-5.000000000e-01, v12;
	v12 =	vsub.f32 $1.500000000e+00, v13  }
0xb5: {  	v0 =	vmul.f32 v11, v0;
	v4 =	vmul.f32 v9, v10;
	v9 =	vsub.f32 $1.500000000e+00, v14  }
0xb6: {  	v8 =	vmul.f32 $1.442695020e+00, v8;
	v12 =	vmul.f32 v17, v12  }
0xb7: {  	v4 =	vsub.f32 $1.500000000e+00, v4;
	v3 =	vmul.f32 v7, v3;
	v7 =	vmul.f32 v20, v9  }
0xb8: {  	vm2 =	vgt.f32 v2, $0.0e+00;
	[tilespmem:s10+$0xFFFFFFF0] =	vst v5;
	v5 =	vpop (erf);
	(erf) = vpow2.f32 v8;
	v8 =	vmul.f32 v12, v19  }
0xb9: {  	s4 =	sadd.s32 $0x20, s6;
	v0 =	vnsel vm0, $0x0, v0;
	[tilespmem:s10+$0x0] =	vst v16;
	v4 =	vmul.f32 v4, v10;
	v10 =	vmul.f32 v7, v21  }
0xba: {  	vm3 =	vgt.f32 v1, $0.0e+00;
	[tilespmem:s4+$0xFFFFF830] =	vst v0;
	v6 =	vmul.f32 v6, v1;
	v1 =	vmul.f32 v8, v12  }
0xbb: {  	[tilespmem:s4+$0xFFFFFC10] =	vst v5;
	v2 =	vmul.f32 v4, v2;
	v3 =	vnsel vm1, $0x0, v3;
	v4 =	vmul.f32 v10, v7  }
0xbc: {  	[tilespmem:s9+$0x0] =	vst v3;
	v3 =	vnsel vm3, $0x0, v6;
	v1 =	vsub.f32 $1.500000000e+00, v1  }
0xbd: {  	v2 =	vnsel vm2, $0x0, v2;
	[tilespmem:s4+$0xFFFFF820] =	vst v3;
	v3 =	vsub.f32 $1.500000000e+00, v4  }
0xbe: {  	s5 =	sand.u32 $0x3E0, s7;
	[tilespmem:s9+$0x10] =	vst v2;
	v9 =	vpop (erf);
	v1 =	vmul.f32 v1, v12  }
0xbf: {  	v5 =	vpop (erf);
	[tilespmem:s5+$0x1480] =	vst v9;
	v0 =	vmul.f32 v3, v7  }
0xc0: {  	[tilespmem:s9+$0x3F0] =	vst v5;
	v2 =	vpop (erf);
	v3 =	vimm.s32 $0x3D;
	v1 =	vmul.f32 v1, v15  }
0xc1: {  	vm12 =	vgt.f32 v15, $0.0e+00;
	[tilespmem:s4+$0x400] =	vst v2;
	v2 =	vpop (erf);
	v0 =	vmul.f32 v0, v18  }
0xc2: {  	vm13 =	vgt.f32 v18, $0.0e+00;
	[tilespmem:s4+$0x3F0] =	vst v2;
	v1 =	vnsel vm12, $0x0, v1  }
0xc3: {  	[tilespmem:s4+$0x0] =	vst v1;
	v0 =	vnsel vm13, $0x0, v0  }
0xc4: {  	s23 =	simm.s32 $0xC00;
	[tilespmem:s4+$0x10] =	vst v0  }
0xc5: {  	v0 =	vld.idx.msk [tilespmem:v3+s23+$0x0], $0xffff  }
0xc6: {  	v1 =	vld [tilespmem:$0xBE0];
	_ =	sdelay $0x4  }
0xc7: {  	v0 =	vadd.f32 v1, v0;
	_ =	sdelay $0x1  }
0xc8: {  	v1 =	vmul.f32 $1.442695020e+00, v0;
	_ =	sdelay $0x1  }
0xc9: {  	(erf) = vpow2.f32 v1;
	_ =	sdelay $0x3  }
0xca: {  	v1 =	vld [tilespmem:$0x3E0];
	_ =	sdelay $0x4  }
0xcb: {  	v3 =	vshra.s32 v1, $0x1;
	v4 =	vmul.f32 $5.000000000e-01, v1;
	v2 =	vpop (erf)  }
0xcc: {  	v3 =	vsub.s32 $0x5F3759DF, v3;
	v5 =	vsub.f32 $1.000000000e+00, v2  }
0xcd: {  	v6 =	vmul.f32 v3, v4  }
0xce: {  	v7 =	vshra.s32 v5, $0x1;
	v8 =	vmul.f32 $5.000000000e-01, v5  }
0xcf: {  	v6 =	vmul.f32 v3, v6;
	v7 =	vsub.s32 $0x5F3759DF, v7  }
0xd0: {  	v9 =	vmul.f32 v7, v8  }
0xd1: {  	v6 =	vsub.f32 $1.500000000e+00, v6  }
0xd2: {  	v9 =	vmul.f32 v7, v9  }
0xd3: {  	v10 =	vld [tilespmem:$0x7E0];
	v0 =	vmul.f32 $5.000000000e-01, v0;
	v3 =	vmul.f32 v3, v6  }
0xd4: {  	v6 =	vsub.f32 $1.500000000e+00, v9  }
0xd5: {  	v0 =	vmul.f32 $1.442695020e+00, v0;
	v4 =	vmul.f32 v3, v4  }
0xd6: {  	v6 =	vmul.f32 v7, v6  }
0xd7: {  	(erf) = vpow2.f32 v0;
	v4 =	vmul.f32 v4, v3  }
0xd8: {  	v7 =	vmul.f32 $-5.000000000e-01, v10;
	v0 =	vmul.f32 v6, v8;
	_ =	sdelay $0x1  }
0xd9: {  	v4 =	vsub.f32 $1.500000000e+00, v4;
	v7 =	vmul.f32 $1.442695020e+00, v7;
	v0 =	vmul.f32 v0, v6;
	_ =	sdelay $0x1  }
0xda: {  	v3 =	vmul.f32 v4, v3;
	(erf) = vpow2.f32 v7;
	v0 =	vsub.f32 $1.500000000e+00, v0;
	_ =	sdelay $0x1  }
0xdb: {  	v3 =	vmul.f32 v3, v1;
	v0 =	vmul.f32 v0, v6  }
0xdc: {  	vm14 =	vgt.f32 v1, $0.0e+00  }
0xdd: {  	v1 =	vnsel vm14, $0x0, v3;
	v0 =	vmul.f32 v0, v5  }
0xde: {  	vm15 =	vgt.f32 v5, $0.0e+00  }
0xdf: {  	[tilespmem:$0x1060] =	vst v2;
	v0 =	vnsel vm15, $0x0, v0  }
0xe0: {  	[tilespmem:$0x1460] =	vst v1;
	v1 =	vpop (erf)  }
0xe1: {  	[tilespmem:$0x1850] =	vst v1  }
0xe2: {  	[tilespmem:$0x1C40] =	vst v0;
	v0 =	vpop (erf)  }
0xe3: {  	s24 =	simm.s32 $0x2;
	[tilespmem:$0x2030] =	vst v0  }
0xe4: {  	_ =	swait.ge [sflag:s24], $0x400  }
0xe5: {  	[sflag:s24] =	ssyncset.done $0x0  }
0xe6: {  	s25 =	simm.s32 $0x2090;
	[sflag:s24] =	ssyncadd.s32 $0xFFFFFC00  }
0xe7: {  	v0 =	vld [tilespmem:s25+$0x0]  }
0xe8: {  	v1 =	vld [tilespmem:s25+$0xFFFFFFF0];
	_ =	sdelay $0x4  }
0xe9: {  	s26 =	simm.s32 $0x20B0  }
0xea: {  	s7 =	simm.s32 $0x0;
	v3 =	vld [tilespmem:s26+$0x0]  }
0xeb: {  	v2 =	vld.idx.msk [tilespmem:v0+s7+$0x0], $0xffff  }
0xec: {  	v4 =	vld.idx.msk [tilespmem:v1+s7+$0x0], $0xffff;
	_ =	sdelay $0x2  }
0xed: {  	s13 =	simm.s32 $0x2480  }
0xee: {  	s4 =	simm.s32 $0x1080;
	[tilespmem:s13+$0x10] =	vst v2;
	v2 =	vld [tilespmem:s26+$0xFFFFFFF0]  }
0xef: {  	[tilespmem:s13+$0x0] =	vst v4;
	v5 =	vld.idx.msk [tilespmem:v0+s4+$0x0], $0xffff  }
0xf0: {  	v4 =	vld.idx.msk [tilespmem:v1+s4+$0x0], $0xffff;
	_ =	sdelay $0x1  }
0xf1: {  	v6 =	vld.idx.msk [tilespmem:v3+s7+$0x0], $0xffff  }
0xf2: {  	s28 =	simm.s32 $0x20D0  }
0xf3: {  	s8 =	simm.s32 $0xC80;
	s5 =	sand.u32 $0x3E0, s7;
	v10 =	vld [tilespmem:s28+$0x0];
	[tilespmem:s13+$0x410] =	vst v5  }
0xf4: {  	[tilespmem:s5+$0x2880] =	vst v4;
	v5 =	vld.idx.msk [tilespmem:v0+s8+$0x0], $0xffff  }
0xf5: {  	s12 =	simm.s32 $0x24A0;
	v7 =	vadd.s32 $0x3F0, v0;
	v4 =	vld.idx.msk [tilespmem:v1+s8+$0x0], $0xffff  }
0xf6: {  	[tilespmem:s12+$0x10] =	vst v6;
	v6 =	vadd.s32 $0x3F0, v1;
	v8 =	vld.idx.msk [tilespmem:v2+s7+$0x0], $0xffff;
	_ =	sdelay $0x1  }
0xf7: {  	v12 =	vld [tilespmem:s28+$0xFFFFFFF0]  }
0xf8: {  	v9 =	vld.idx.msk [tilespmem:v3+s4+$0x0], $0xffff;
	[tilespmem:s13+$0x810] =	vst v5  }
0xf9: {  	[tilespmem:s5+$0x2C80] =	vst v4;
	v5 =	vld.idx.msk [tilespmem:v7+s4+$0x0], $0xffff  }
0xfa: {  	[tilespmem:s12+$0x0] =	vst v8;
	v7 =	vadd.s32 $0x7E0, v0;
	v4 =	vld.idx.msk [tilespmem:v6+s4+$0x0], $0xffff  }
0xfb: {  	v8 =	vld.idx.msk [tilespmem:v2+s4+$0x0], $0xffff  }
0xfc: {  	s30 =	simm.s32 $0x20F0;
	v6 =	vld.idx.msk [tilespmem:v10+s7+$0x0], $0xffff  }
0xfd: {  	v11 =	vadd.s32 $0xBD0, v0;
	[tilespmem:s12+$0x410] =	vst v9;
	v0 =	vld [tilespmem:s30+$0x0]  }
0xfe: {  	s29 =	simm.s32 $0x20;
	[tilespmem:s13+$0xC10] =	vst v5;
	v5 =	vld.idx.msk [tilespmem:v3+s8+$0x0], $0xffff  }
0xff: {  	s6 =	sand.u32 $0x3E0, s29;
	v9 =	vadd.s32 $0x3F0, v3;
	v7 =	vld.idx.msk [tilespmem:v7+s4+$0x0], $0xffff  }
0x100: {  	[tilespmem:s6+$0x2880] =	vst v8;
	v8 =	vld.idx.msk [tilespmem:v12+s7+$0x0], $0xffff  }
0x101: {  	s9 =	simm.s32 $0x24C0;
	v13 =	vld.idx.msk [tilespmem:v2+s8+$0x0], $0xffff  }
0x102: {  	v19 =	vld [tilespmem:s30+$0xFFFFFFF0];
	[tilespmem:s9+$0x10] =	vst v6;
	v6 =	vadd.s32 $0x3F0, v2  }
0x103: {  	v14 =	vld.idx.msk [tilespmem:v10+s4+$0x0], $0xffff;
	[tilespmem:s12+$0x810] =	vst v5  }
0x104: {  	v5 =	vadd.s32 $0x7E0, v1;
	v9 =	vld.idx.msk [tilespmem:v9+s4+$0x0], $0xffff;
	[tilespmem:s13+$0x1010] =	vst v7  }
0x105: {  	[tilespmem:s9+$0x0] =	vst v8;
	v7 =	vld.idx.msk [tilespmem:v11+s4+$0x0], $0xffff  }
0x106: {  	v8 =	vld.idx.msk [tilespmem:v12+s4+$0x0], $0xffff;
	[tilespmem:s6+$0x2C80] =	vst v13;
	v11 =	vadd.s32 $0x7E0, v3  }
0x107: {  	[tilespmem:s5+$0x3080] =	vst v4;
	v4 =	vld.idx.msk [tilespmem:v6+s4+$0x0], $0xffff  }
0x108: {  	v6 =	vld.idx.msk [tilespmem:v0+s7+$0x0], $0xffff  }
0x109: {  	[tilespmem:s9+$0x410] =	vst v14;
	v5 =	vld.idx.msk [tilespmem:v5+s4+$0x0], $0xffff  }
0x10a: {  	s31 =	simm.s32 $0x40;
	[tilespmem:s12+$0xC10] =	vst v9;
	v9 =	vld.idx.msk [tilespmem:v10+s8+$0x0], $0xffff  }
0x10b: {  	s10 =	sand.u32 $0x3E0, s31;
	v13 =	vld.idx.msk [tilespmem:v11+s4+$0x0], $0xffff  }
0x10c: {  	s14 =	simm.s32 $0x2110;
	v14 =	vadd.s32 $0x3F0, v10;
	[tilespmem:s10+$0x2880] =	vst v8;
	v8 =	vld.idx.msk [tilespmem:v19+s7+$0x0], $0xffff  }
0x10d: {  	v3 =	vadd.s32 $0xBD0, v3;
	v11 =	vld [tilespmem:s14+$0x0]  }
0x10e: {  	s11 =	simm.s32 $0x24E0;
	[tilespmem:s13+$0x1410] =	vst v7;
	v15 =	vld.idx.msk [tilespmem:v12+s8+$0x0], $0xffff  }
0x10f: {  	v7 =	vld [tilespmem:s14+$0xFFFFFFF0];
	[tilespmem:s11+$0x10] =	vst v6;
	v6 =	vadd.s32 $0x3F0, v12  }
0x110: {  	v16 =	vld.idx.msk [tilespmem:v0+s4+$0x0], $0xffff;
	[tilespmem:s9+$0x810] =	vst v9  }
0x111: {  	v9 =	vadd.s32 $0x7E0, v2;
	v14 =	vld.idx.msk [tilespmem:v14+s4+$0x0], $0xffff;
	[tilespmem:s12+$0x1010] =	vst v13  }
0x112: {  	[tilespmem:s11+$0x0] =	vst v8;
	v3 =	vld.idx.msk [tilespmem:v3+s4+$0x0], $0xffff  }
0x113: {  	v8 =	vld.idx.msk [tilespmem:v19+s4+$0x0], $0xffff;
	[tilespmem:s10+$0x2C80] =	vst v15  }
0x114: {  	[tilespmem:s6+$0x3080] =	vst v4;
	v13 =	vadd.s32 $0x7E0, v10;
	v4 =	vld.idx.msk [tilespmem:v6+s4+$0x0], $0xffff  }
0x115: {  	v15 =	vadd.s32 $0xBD0, v1;
	[tilespmem:s11+$0x410] =	vst v16;
	v16 =	vld.idx.msk [tilespmem:v11+s7+$0x0], $0xffff  }
0x116: {  	[tilespmem:s5+$0x3480] =	vst v5;
	v21 =	vld.idx.msk [tilespmem:v9+s4+$0x0], $0xffff  }
0x117: {  	s14 =	simm.s32 $0x60;
	v20 =	vld.idx.msk [tilespmem:v7+s7+$0x0], $0xffff;
	[tilespmem:s9+$0xC10] =	vst v14  }
0x118: {  	v17 =	vadd.s32 $0xBD0, v10;
	v18 =	vadd.s32 $0x3F0, v0;
	s13 =	sand.u32 $0x3E0, s14;
	v14 =	vld.idx.msk [tilespmem:v0+s8+$0x0], $0xffff;
	[tilespmem:s12+$0x1410] =	vst v3  }
0x119: {  	v5 =	vadd.s32 $0x7E0, v12;
	v1 =	vadd.s32 $0xBD0, v2;
	v2 =	vadd.s32 $0xBD0, v12;
	v13 =	vld.idx.msk [tilespmem:v13+s4+$0x0], $0xffff;
	[tilespmem:s13+$0x2880] =	vst v8  }
0x11a: {  	v12 =	vadd.s32 $0x3F0, v7;
	v6 =	vadd.s32 $0x7E0, v19;
	v9 =	vadd.s32 $0x3F0, v19;
	v15 =	vld.idx.msk [tilespmem:v15+s4+$0x0], $0xffff;
	[tilespmem:s10+$0x3080] =	vst v4  }
0x11b: {  	s15 =	simm.s32 $0x8;
	s16 =	simm.s32 $0x2130;
	v10 =	vmovc v11;
	v3 =	vadd.s32 $0xBD0, v19;
	v8 =	vadd.s32 $0x7E0, v7;
	s12 =	simm.s32 $0x2500;
	v4 =	vadd.s32 $0xBD0, v7;
	v19 =	vld.idx.msk [tilespmem:v19+s8+$0x0], $0xffff;
	[tilespmem:s6+$0x3480] =	vst v21  }
.LBB2_7:
0x11c: {  	v21 =	vld [tilespmem:s16+$0x0];
	[tilespmem:s12+$0x10] =	vst v16  }
0x11d: {  	v16 =	vld.idx.msk [tilespmem:v11+s4+$0x0], $0xffff;
	[tilespmem:s11+$0x810] =	vst v14  }
0x11e: {  	s15 =	sadd.s32 $0x2, s15;
	v14 =	vld.idx.msk [tilespmem:v18+s4+$0x0], $0xffff;
	[tilespmem:s9+$0x1010] =	vst v13  }
0x11f: {  	p0 =	slt.u32 s15, $0x3E;
	v13 =	vld.idx.msk [tilespmem:v17+s4+$0x0], $0xffff;
	[tilespmem:s5+$0x3880] =	vst v15;
	s5 =	smov.u32 s6;
	s6 =	smov.u32 s10  }
0x120: {  	s10 =	smov.u32 s13;
	v22 =	vld [tilespmem:s16+$0xFFFFFFF0];
	[tilespmem:s12+$0x0] =	vst v20  }
0x121: {  	v17 =	vadd.s32 $0x7E0, v0;
	v15 =	vld.idx.msk [tilespmem:v7+s4+$0x0], $0xffff;
	[tilespmem:s10+$0x2C80] =	vst v19;
	v11 =	vmov v21  }
0x122: {  	v19 =	vld.idx.msk [tilespmem:v9+s4+$0x0], $0xffff;
	v9 =	vmov v12  }
0x123: {  	[tilespmem:s12+$0x410] =	vst v16;
	v23 =	vld.idx.msk [tilespmem:v5+s4+$0x0], $0xffff;
	v5 =	vmov v6;
	v6 =	vmov v8  }
0x124: {  	v16 =	vld.idx.msk [tilespmem:v21+s7+$0x0], $0xffff;
	[tilespmem:s11+$0xC10] =	vst v14  }
.Ltmp3:
0x125: {  	s14 =	sadd.s32 $0x20, s14;
	v12 =	vadd.s32 $0x3F0, v22;
	v8 =	vadd.s32 $0x7E0, v22;
	v20 =	vadd.s32 $0xBD0, v22;
	v14 =	vld.idx.msk [tilespmem:v10+s8+$0x0], $0xffff;
	[tilespmem:s9+$0x1410] =	vst v13;
	s9 =	smov.u32 s11;
	(pc) =	sbr.rel @p0 .LBB2_7-.Ltmp3, $4  }
0x126: {  	s13 =	sand.u32 $0x3E0, s14;
	s11 =	smov.u32 s12;
	v13 =	vld.idx.msk [tilespmem:v17+s4+$0x0], $0xffff  }
0x127: {  	v18 =	vadd.s32 $0x3F0, v10;
	[tilespmem:s13+$0x2880] =	vst v15;
	v15 =	vld.idx.msk [tilespmem:v1+s4+$0x0], $0xffff;
	v1 =	vmovc v2;
	v2 =	vmovc v3;
	v3 =	vmov v4;
	v4 =	vmov v20  }
0x128: {  	v17 =	vadd.s32 $0xBD0, v0;
	v0 =	vmov v10;
	v10 =	vmov v21;
	v20 =	vld.idx.msk [tilespmem:v22+s7+$0x0], $0xffff;
	[tilespmem:s10+$0x3080] =	vst v19  }
0x129: {  	s16 =	sadd.s32 $0x20, s16;
	s12 =	sadd.s32 $0x20, s12;
	v19 =	vld.idx.msk [tilespmem:v7+s8+$0x0], $0xffff;
	[tilespmem:s6+$0x3480] =	vst v23;
	v7 =	vmov v22  }
0x12a: {  	_ =	sdelay $0x2  }
0x12b: {  	[tilespmem:s12+$0x10] =	vst v16  }
0x12c: {  	v11 =	vld.idx.msk [tilespmem:v11+s4+$0x0], $0xffff;
	[tilespmem:s12+$0x0] =	vst v20  }
0x12d: {  	v55 =	vld.idx.msk [tilespmem:v7+s4+$0x0], $0xffff;
	_ =	sdelay $0x2  }
0x12e: {  	s7 =	sadd.s32 $0x20, s14  }
0x12f: {  	s7 =	sand.u32 $0x3E0, s7;
	[tilespmem:s12+$0x410] =	vst v11  }
0x130: {  	v11 =	vld.idx.msk [tilespmem:v10+s8+$0x0], $0xffff;
	[tilespmem:s7+$0x2880] =	vst v55  }
0x131: {  	v56 =	vadd.s32 $0x3F0, v10;
	v57 =	vld.idx.msk [tilespmem:v7+s8+$0x0], $0xffff;
	_ =	sdelay $0x1  }
0x132: {  	[tilespmem:s11+$0x810] =	vst v14  }
0x133: {  	v14 =	vld.idx.msk [tilespmem:v18+s4+$0x0], $0xffff;
	[tilespmem:s13+$0x2C80] =	vst v19  }
0x134: {  	v58 =	vadd.s32 $0x7E0, v0;
	v9 =	vld.idx.msk [tilespmem:v9+s4+$0x0], $0xffff;
	[tilespmem:s12+$0x810] =	vst v11  }
0x135: {  	v11 =	vld.idx.msk [tilespmem:v56+s4+$0x0], $0xffff;
	[tilespmem:s7+$0x2C80] =	vst v57  }
0x136: {  	v59 =	vadd.s32 $0x7E0, v10;
	[tilespmem:s9+$0x1010] =	vst v13;
	v12 =	vld.idx.msk [tilespmem:v12+s4+$0x0], $0xffff  }
0x137: {  	v5 =	vld.idx.msk [tilespmem:v5+s4+$0x0], $0xffff;
	[tilespmem:s5+$0x3880] =	vst v15  }
0x138: {  	v1 =	vld.idx.msk [tilespmem:v1+s4+$0x0], $0xffff;
	[tilespmem:s11+$0xC10] =	vst v14  }
0x139: {  	v14 =	vld.idx.msk [tilespmem:v58+s4+$0x0], $0xffff;
	[tilespmem:s13+$0x3080] =	vst v9  }
0x13a: {  	v60 =	vadd.s32 $0xBD0, v0;
	v6 =	vld.idx.msk [tilespmem:v6+s4+$0x0], $0xffff;
	[tilespmem:s12+$0xC10] =	vst v11  }
0x13b: {  	v7 =	vld.idx.msk [tilespmem:v59+s4+$0x0], $0xffff;
	[tilespmem:s7+$0x3080] =	vst v12  }
0x13c: {  	v61 =	vadd.s32 $0xBD0, v10;
	[tilespmem:s10+$0x3480] =	vst v5;
	v8 =	vld.idx.msk [tilespmem:v8+s4+$0x0], $0xffff  }
0x13d: {  	v13 =	vld.idx.msk [tilespmem:v17+s4+$0x0], $0xffff;
	[tilespmem:s6+$0x3880] =	vst v1  }
0x13e: {  	v2 =	vld.idx.msk [tilespmem:v2+s4+$0x0], $0xffff;
	[tilespmem:s11+$0x1010] =	vst v14  }
0x13f: {  	v0 =	vld.idx.msk [tilespmem:v60+s4+$0x0], $0xffff;
	[tilespmem:s13+$0x3480] =	vst v6  }
0x140: {  	v3 =	vld.idx.msk [tilespmem:v3+s4+$0x0], $0xffff;
	[tilespmem:s12+$0x1010] =	vst v7  }
0x141: {  	v62 =	vld.idx.msk [tilespmem:v61+s4+$0x0], $0xffff;
	[tilespmem:s7+$0x3480] =	vst v8  }
0x142: {  	[tilespmem:s9+$0x1410] =	vst v13;
	v63 =	vld.idx.msk [tilespmem:v4+s4+$0x0], $0xffff  }
0x143: {  	[tilespmem:s10+$0x3880] =	vst v2  }
0x144: {  	[tilespmem:s11+$0x1410] =	vst v0  }
0x145: {  	[tilespmem:s13+$0x3880] =	vst v3  }
0x146: {  	[tilespmem:s12+$0x1410] =	vst v62  }
0x147: {  	s2 =	sadd.s32 s2, s3;
	s19 =	simm.s32 $0x0;
	s20 =	simm.s32 $0x2480;
	[tilespmem:s7+$0x3880] =	vst v63  }
0x148: {  	[hbm4b:s2+s19] =	stream.linear.scatter [tilespmem:s20], [sflag:$0x3], $0x400, $0x38;
	[tilespmem:$0x3C80] =	vst v63  }
0x149: {  	s22 =	simm.s32 $0x2880;
	s21 =	sadd.s32 $0x800, s2  }
0x14a: {  	[hbm4b:s21+s19] =	stream.linear.scatter [tilespmem:s22], [sflag:$0x3], $0x400, $0x38;
	[tilespmem:$0x3C80] =	vst v63  }
0x14b: {  	s24 =	simm.s32 $0x2C80;
	s23 =	sadd.s32 $0x1000, s2  }
0x14c: {  	[hbm4b:s23+s19] =	stream.linear.scatter [tilespmem:s24], [sflag:$0x3], $0x400, $0x38;
	[tilespmem:$0x3C80] =	vst v63  }
0x14d: {  	s26 =	simm.s32 $0x3080;
	s25 =	sadd.s32 $0x1800, s2  }
0x14e: {  	[hbm4b:s25+s19] =	stream.linear.scatter [tilespmem:s26], [sflag:$0x3], $0x400, $0x38;
	[tilespmem:$0x3C80] =	vst v63  }
0x14f: {  	s29 =	simm.s32 $0x3480;
	s28 =	sadd.s32 $0x2000, s2  }
0x150: {  	[hbm4b:s28+s19] =	stream.linear.scatter [tilespmem:s29], [sflag:$0x3], $0x400, $0x38;
	[tilespmem:$0x3C80] =	vst v63  }
0x151: {  	s30 =	simm.s32 $0x3880;
	s31 =	simm.s32 $0x3;
	s2 =	sadd.s32 $0x2800, s2  }
0x152: {  	[hbm4b:s2+s19] =	stream.linear.scatter [tilespmem:s30], [sflag:$0x3], $0x400, $0x38;
	[tilespmem:$0x3C80] =	vst v63  }
0x153: {  	_ =	swait.ge [sflag:s31], $0x1800  }
0x154: {  	[sflag:s31] =	ssyncset.done $0x0  }
0x155: {  	[sflag:s31] =	ssyncadd.s32 $0xFFFFE800  }
0x156: {  	_ =	sfence.sel $0x180000  }
0x157: {  	[bflag:$0x0] =	sbarrier.arrive $0xFFFF  }
0x158: {  	p0 =	sne.s32 s1, $0x0;
	_ =	strace $0x90000047  }
0x159: {  	s0 =	sadd.s32 @!p0 $0x100000, s0;
	[bflag:$0x2] =	sbarrier.arrive $0xFFFF  }
0x15a: {  	[sflag:s0] =	ssyncadd.tile.s32 @!p0 $0x1;
	_ =	shalt  }
.Lfunc_end2:
_tile_overlayer_lowered:
.L_overlay_start_2:
0x15b: {  	(tag) =	ssettag $0x2  }
0x15c: {  	s0 =	rddreg [dreg:$0x0];
	s2 =	stileid.u32  }
0x15d: {  	s1 =	rddreg [dreg:$0x1];
	p0 =	sne.s32 s2, $0x0  }
0x15e: {  	s3 =	rddreg [dreg:$0x2];
	[bflag:$0x3] =	sbarrier.arrive $0xFFFF;
	s2 =	simm.s32 @!p0 $0x1C04  }
0x15f: {  	[timem:s3], [sflag:s2] =	dma.local @!p0 [hbm:s0], s1  }
0x160: {  	s0 =	simm.s32 @!p0 $0x4  }
0x161: {  	_ =	swait.ge @!p0 [sflag:s0], s1  }
0x162: {  	s1 =	ssub.s32 @!p0 $0x0, s1;
	[sflag:s0] =	ssyncset.done @!p0 $0x0  }
0x163: {  	[sflag:s0] =	ssyncadd.s32 @!p0 s1  }
0x164: {  	[bflag:$0x3] =	sbarrier.arrive $0xFFFF  }
0x165: {  	_ =	shalt  }

</sc_bundles>
